<compile_context>
chip_gen: v7x
topology: tpu7x:2x2x1
jax: 0.10.2.dev20260603
libtpu: 0.0.44.dev20260713+nightly
codegen_flags: <defaults>
</compile_context>

<pallas_src>
import functools

import jax
import jax.numpy as jnp
from jax import lax
from jax.experimental import pallas as pl
from jax.experimental.pallas import tpu as pltpu
from jax.experimental.pallas import tpu_sc as plsc

_N_WORDS = 100000
_DIM = 16
_CPAD = 96
_NT = 32

_COV_ROWS = _N_WORDS
_SUM_ROWS = _N_WORDS // 8
_CNT_ROWS = (_N_WORDS + _CPAD) // 128

_COV_CHUNK = (_COV_ROWS // _NT) & ~7
_COV_TAIL = _COV_ROWS - _COV_CHUNK * _NT
_SUM_CHUNK = (_SUM_ROWS // _NT) & ~7
_SUM_TAIL = _SUM_ROWS - _SUM_CHUNK * _NT
_CNT_CHUNK = _CNT_ROWS // _NT
_CNT_TAIL = _CNT_ROWS - _CNT_CHUNK * _NT

_mesh = plsc.VectorSubcoreMesh(core_axis_name="c", subcore_axis_name="s")


@functools.partial(
    pl.kernel,
    out_type=(
        jax.ShapeDtypeStruct((_SUM_ROWS, 128), jnp.float32),
        jax.ShapeDtypeStruct((_CNT_ROWS, 128), jnp.int32),
        jax.ShapeDtypeStruct((_COV_ROWS, 256), jnp.float32),
    ),
    mesh=_mesh,
    scratch_types=[
        pltpu.VMEM((1,), jnp.int32),
        pltpu.VMEM((1,), jnp.int32),
        pltpu.VMEM((1,), jnp.int32),
        pltpu.VMEM((6, _DIM), jnp.int32),
        pltpu.VMEM((_DIM,), jnp.float32),
        pltpu.VMEM((1, 128), jnp.float32),
        pltpu.VMEM((1, 128), jnp.int32),
        pltpu.VMEM((1, 16 * _DIM), jnp.float32),
        pltpu.SemaphoreType.DMA,
    ],
)
def _sc_all(idxs_hbm, idxc_hbm, idxv_hbm, bc_hbm, vec_hbm,
            sum_in, cnt_in, cov_in,
            sum_out, cnt_out, cov_out,
            idxs_v, idxc_v, idxv_v, bc_v, vec_v, sum_v, cnt_v, cov_v, sem):
    cid = lax.axis_index("c")
    sid = lax.axis_index("s")
    wid = sid * 2 + cid

    pltpu.sync_copy(idxs_hbm, idxs_v)
    pltpu.sync_copy(idxc_hbm, idxc_v)
    pltpu.sync_copy(idxv_hbm, idxv_v)
    pltpu.sync_copy(bc_hbm, bc_v)
    pltpu.sync_copy(vec_hbm, vec_v)

    ix = bc_v[3, :][0]
    rs = bc_v[4, :][0]
    rc = bc_v[5, :][0]

    own_cov = jnp.where(ix >= _COV_CHUNK * _NT, 0, ix // _COV_CHUNK)
    own_sum = jnp.where(rs >= _SUM_CHUNK * _NT, 0, rs // _SUM_CHUNK)
    own_cnt = jnp.where(rc >= _CNT_CHUNK * _NT, 0, rc // _CNT_CHUNK)

    c_cov = pltpu.async_copy(
        cov_in.at[pl.ds(wid * _COV_CHUNK, _COV_CHUNK)],
        cov_out.at[pl.ds(wid * _COV_CHUNK, _COV_CHUNK)], sem)
    c_sum = pltpu.async_copy(
        sum_in.at[pl.ds(wid * _SUM_CHUNK, _SUM_CHUNK)],
        sum_out.at[pl.ds(wid * _SUM_CHUNK, _SUM_CHUNK)], sem)
    c_cnt = pltpu.async_copy(
        cnt_in.at[pl.ds(wid * _CNT_CHUNK, _CNT_CHUNK)],
        cnt_out.at[pl.ds(wid * _CNT_CHUNK, _CNT_CHUNK)], sem)
    c_cov.wait()
    c_sum.wait()
    c_cnt.wait()

    @pl.when(wid == 0)
    def _():
        t_cov = pltpu.async_copy(
            cov_in.at[pl.ds(_COV_CHUNK * _NT, _COV_TAIL)],
            cov_out.at[pl.ds(_COV_CHUNK * _NT, _COV_TAIL)], sem)
        t_sum = pltpu.async_copy(
            sum_in.at[pl.ds(_SUM_CHUNK * _NT, _SUM_TAIL)],
            sum_out.at[pl.ds(_SUM_CHUNK * _NT, _SUM_TAIL)], sem)
        t_cnt = pltpu.async_copy(
            cnt_in.at[pl.ds(_CNT_CHUNK * _NT, _CNT_TAIL)],
            cnt_out.at[pl.ds(_CNT_CHUNK * _NT, _CNT_TAIL)], sem)
        t_cov.wait()
        t_sum.wait()
        t_cnt.wait()

    vec = vec_v[...]
    rem8 = bc_v[0, :]
    grp = bc_v[1, :]
    lane = bc_v[2, :]
    iota = lax.iota(jnp.int32, _DIM)
    zf = jnp.zeros((_DIM,), jnp.float32)

    @pl.when(wid == own_sum)
    def _():
        pltpu.async_copy(sum_out.at[idxs_v], sum_v, sem).wait()
        for j in range(8):
            s = pl.ds(j * _DIM, _DIM)
            sum_v[0, s] = sum_v[0, s] + jnp.where(rem8 == j, vec, zf)
        pltpu.async_copy(sum_v, sum_out.at[idxs_v], sem).wait()

    @pl.when(wid == own_cnt)
    def _():
        pltpu.async_copy(cnt_out.at[idxc_v], cnt_v, sem).wait()
        for j in range(8):
            s = pl.ds(j * _DIM, _DIM)
            hit = jnp.logical_and(grp == j, iota == lane)
            cnt_v[0, s] = cnt_v[0, s] + jnp.where(hit, 1, 0)
        pltpu.async_copy(cnt_v, cnt_out.at[idxc_v], sem).wait()

    @pl.when(wid == own_cov)
    def _():
        pltpu.async_copy(cov_out.at[idxv_v], cov_v, sem).wait()
        for j in range(_DIM):
            s = pl.ds(j * _DIM, _DIM)
            cov_v[0, s] = cov_v[0, s] + vec * vec[j]
        pltpu.async_copy(cov_v, cov_out.at[idxv_v], sem).wait()


def kernel(ix, vec, sum_buf, counts, cov_buf):
    ix32 = jnp.asarray(ix, jnp.int32)
    idxs = jnp.reshape(ix32 // 8, (1,))
    idxc = jnp.reshape(ix32 // 128, (1,))
    idxv = jnp.reshape(ix32, (1,))
    bc = jnp.stack([
        jnp.full((_DIM,), ix32 % 8, jnp.int32),
        jnp.full((_DIM,), (ix32 % 128) // _DIM, jnp.int32),
        jnp.full((_DIM,), ix32 % _DIM, jnp.int32),
        jnp.full((_DIM,), ix32, jnp.int32),
        jnp.full((_DIM,), ix32 // 8, jnp.int32),
        jnp.full((_DIM,), ix32 // 128, jnp.int32),
    ])
    cpad = jnp.concatenate([counts, jnp.zeros((_CPAD,), jnp.int32)])
    new_sum, new_cnt, new_cov = _sc_all(
        idxs, idxc, idxv, bc, vec,
        sum_buf.reshape(_SUM_ROWS, 128),
        cpad.reshape(_CNT_ROWS, 128),
        cov_buf.reshape(_COV_ROWS, 256),
    )
    return (new_sum.reshape(_N_WORDS, _DIM),
            new_cnt.reshape(-1)[:_N_WORDS],
            new_cov.reshape(_N_WORDS, _DIM, _DIM))

# --- scband reference (transcript-rebuilt; emitter-appended) ---
"""Pipeline reference for scband-embed-averages-87007447483136 (READ-ONLY COPY).

The authoritative reference and input builder live on the scoring server;
editing this copy changes nothing except your own understanding.
"""

import jax, jax.numpy as jnp
import numpy as np

N_WORDS = 100000
DIM = 16

def setup_inputs(seed: int = 0) -> dict:
    key = jax.random.key(seed)
    k_vec = jax.random.fold_in(key, 1)
    vec = jax.random.normal(k_vec, (DIM,), dtype=jnp.float32)
    ix = 12345  # scalar python int index, in-range < N_WORDS
    sum_buf = jnp.zeros((N_WORDS, DIM), dtype=jnp.float32)
    counts = jnp.zeros((N_WORDS,), dtype=jnp.int32)
    cov_buf = jnp.zeros((N_WORDS, DIM, DIM), dtype=jnp.float32)
    return {"ix": ix, "vec": vec, "sum_buf": sum_buf, "counts": counts, "cov_buf": cov_buf}

def reference(ix, vec, sum_buf, counts, cov_buf):
    # Faithful translation of EmbedAverages.add(ix, vec):
    #   self._counts[ix] += 1
    #   self._sum[ix] += vec
    #   self._cov[ix] += vec.reshape([d,1]) @ vec.reshape([1,d])
    new_counts = counts.at[ix].add(1)
    new_sum = sum_buf.at[ix].add(vec)
    outer = vec.reshape(DIM, 1) @ vec.reshape(1, DIM)
    new_cov = cov_buf.at[ix].add(outer)
    return (new_sum, new_counts, new_cov)

if __name__ == "__main__":
    import jax
    _d = setup_inputs()
    print(jax.jit(kernel)(*tuple(_d.values())))

</pallas_src>

<mosaic_0001>
#map = affine_map<(d0, d1) -> (0)>
#map1 = affine_map<(d0, d1) -> (0, 0)>
module attributes {stable_mosaic.version = 14 : i64} {
  func.func @_sc_all(%arg0: i32, %arg1: i32, %arg2: memref<1xi32, #tpu.memory_space<hbm>>, %arg3: memref<1xi32, #tpu.memory_space<hbm>>, %arg4: memref<1xi32, #tpu.memory_space<hbm>>, %arg5: memref<6x16xi32, #tpu.memory_space<hbm>>, %arg6: memref<16xf32, #tpu.memory_space<hbm>>, %arg7: memref<12500x128xf32, #tpu.memory_space<hbm>>, %arg8: memref<782x128xi32, #tpu.memory_space<hbm>>, %arg9: memref<100000x256xf32, #tpu.memory_space<hbm>>, %arg10: memref<12500x128xf32, #tpu.memory_space<hbm>>, %arg11: memref<782x128xi32, #tpu.memory_space<hbm>>, %arg12: memref<100000x256xf32, #tpu.memory_space<hbm>>, %arg13: memref<1xi32, #tpu.memory_space<vmem>>, %arg14: memref<1xi32, #tpu.memory_space<vmem>>, %arg15: memref<1xi32, #tpu.memory_space<vmem>>, %arg16: memref<6x16xi32, #tpu.memory_space<vmem>>, %arg17: memref<16xf32, #tpu.memory_space<vmem>>, %arg18: memref<1x128xf32, #tpu.memory_space<vmem>>, %arg19: memref<1x128xi32, #tpu.memory_space<vmem>>, %arg20: memref<1x256xf32, #tpu.memory_space<vmem>>, %arg21: memref<!tpu.dma_semaphore, #tpu.memory_space<semaphore_mem>>) attributes {dimension_semantics = [#tpu.dimension_semantics<core_parallel>, #tpu.dimension_semantics<subcore_parallel>], iteration_bounds = array<i64: 2, 16>, scalar_prefetch = 0 : i64, scratch_operands = 9 : i64, tpu.core_type = #tpu.core_type<sc_vector_subcore>, window_params = [{transform_indices = #map}, {transform_indices = #map}, {transform_indices = #map}, {transform_indices = #map1}, {transform_indices = #map}, {transform_indices = #map1}, {transform_indices = #map1}, {transform_indices = #map1}, {transform_indices = #map1}, {transform_indices = #map1}, {transform_indices = #map1}]} {
    %mul3A = arith.constant 2 : i32
    %mul3A_0 = arith.muli %arg1, %mul3A : i32
    %add3A = arith.addi %mul3A_0, %arg0 : i32
    "tpu.region"() ({
      %run_scoped3A = tpu.sem_alloc : memref<!tpu.dma_semaphore, #tpu.memory_space<semaphore_mem>>
      tpu.enqueue_dma source(%arg2 : memref<1xi32, #tpu.memory_space<hbm>>) target(%arg13 : memref<1xi32, #tpu.memory_space<vmem>>) target_semaphore(%run_scoped3A : memref<!tpu.dma_semaphore, #tpu.memory_space<semaphore_mem>>)
      tpu.wait_dma2 semaphore(%run_scoped3A : memref<!tpu.dma_semaphore, #tpu.memory_space<semaphore_mem>>) src(%arg2 : memref<1xi32, #tpu.memory_space<hbm>>) dst(%arg13 : memref<1xi32, #tpu.memory_space<vmem>>)
      tpu.yield
    }) : () -> ()
    "tpu.region"() ({
      %run_scoped3A = tpu.sem_alloc : memref<!tpu.dma_semaphore, #tpu.memory_space<semaphore_mem>>
      tpu.enqueue_dma source(%arg3 : memref<1xi32, #tpu.memory_space<hbm>>) target(%arg14 : memref<1xi32, #tpu.memory_space<vmem>>) target_semaphore(%run_scoped3A : memref<!tpu.dma_semaphore, #tpu.memory_space<semaphore_mem>>)
      tpu.wait_dma2 semaphore(%run_scoped3A : memref<!tpu.dma_semaphore, #tpu.memory_space<semaphore_mem>>) src(%arg3 : memref<1xi32, #tpu.memory_space<hbm>>) dst(%arg14 : memref<1xi32, #tpu.memory_space<vmem>>)
      tpu.yield
    }) : () -> ()
    "tpu.region"() ({
      %run_scoped3A = tpu.sem_alloc : memref<!tpu.dma_semaphore, #tpu.memory_space<semaphore_mem>>
      tpu.enqueue_dma source(%arg4 : memref<1xi32, #tpu.memory_space<hbm>>) target(%arg15 : memref<1xi32, #tpu.memory_space<vmem>>) target_semaphore(%run_scoped3A : memref<!tpu.dma_semaphore, #tpu.memory_space<semaphore_mem>>)
      tpu.wait_dma2 semaphore(%run_scoped3A : memref<!tpu.dma_semaphore, #tpu.memory_space<semaphore_mem>>) src(%arg4 : memref<1xi32, #tpu.memory_space<hbm>>) dst(%arg15 : memref<1xi32, #tpu.memory_space<vmem>>)
      tpu.yield
    }) : () -> ()
    "tpu.region"() ({
      %run_scoped3A = tpu.sem_alloc : memref<!tpu.dma_semaphore, #tpu.memory_space<semaphore_mem>>
      tpu.enqueue_dma source(%arg5 : memref<6x16xi32, #tpu.memory_space<hbm>>) target(%arg16 : memref<6x16xi32, #tpu.memory_space<vmem>>) target_semaphore(%run_scoped3A : memref<!tpu.dma_semaphore, #tpu.memory_space<semaphore_mem>>)
      tpu.wait_dma2 semaphore(%run_scoped3A : memref<!tpu.dma_semaphore, #tpu.memory_space<semaphore_mem>>) src(%arg5 : memref<6x16xi32, #tpu.memory_space<hbm>>) dst(%arg16 : memref<6x16xi32, #tpu.memory_space<vmem>>)
      tpu.yield
    }) : () -> ()
    "tpu.region"() ({
      %run_scoped3A = tpu.sem_alloc : memref<!tpu.dma_semaphore, #tpu.memory_space<semaphore_mem>>
      tpu.enqueue_dma source(%arg6 : memref<16xf32, #tpu.memory_space<hbm>>) target(%arg17 : memref<16xf32, #tpu.memory_space<vmem>>) target_semaphore(%run_scoped3A : memref<!tpu.dma_semaphore, #tpu.memory_space<semaphore_mem>>)
      tpu.wait_dma2 semaphore(%run_scoped3A : memref<!tpu.dma_semaphore, #tpu.memory_space<semaphore_mem>>) src(%arg6 : memref<16xf32, #tpu.memory_space<hbm>>) dst(%arg17 : memref<16xf32, #tpu.memory_space<vmem>>)
      tpu.yield
    }) : () -> ()
    %get3A = arith.constant 3 : i32
    %get3A_1 = arith.index_cast %get3A : i32 to index
    %get3A_2 = arith.constant 0 : index
    %get3A_3 = tpu.vector_load %arg16[%get3A_1, %get3A_2] {strides = array<i32>} : memref<6x16xi32, #tpu.memory_space<vmem>>, vector<1x16xi32>,
    %get3A_4 = vector.shape_cast %get3A_3 : vector<1x16xi32> to vector<16xi32>
    %slice3A = vector.extract_strided_slice %get3A_4 {offsets = [0], sizes = [1], strides = [1]} : vector<16xi32> to vector<1xi32>
    %squeeze3A = vector.extract %slice3A[0] : i32 from vector<1xi32>
    %get3A_5 = arith.constant 4 : i32
    %get3A_6 = arith.index_cast %get3A_5 : i32 to index
    %get3A_7 = arith.constant 0 : index
    %get3A_8 = tpu.vector_load %arg16[%get3A_6, %get3A_7] {strides = array<i32>} : memref<6x16xi32, #tpu.memory_space<vmem>>, vector<1x16xi32>,
    %get3A_9 = vector.shape_cast %get3A_8 : vector<1x16xi32> to vector<16xi32>
    %slice3A_10 = vector.extract_strided_slice %get3A_9 {offsets = [0], sizes = [1], strides = [1]} : vector<16xi32> to vector<1xi32>
    %squeeze3A_11 = vector.extract %slice3A_10[0] : i32 from vector<1xi32>
    %get3A_12 = arith.constant 5 : i32
    %get3A_13 = arith.index_cast %get3A_12 : i32 to index
    %get3A_14 = arith.constant 0 : index
    %get3A_15 = tpu.vector_load %arg16[%get3A_13, %get3A_14] {strides = array<i32>} : memref<6x16xi32, #tpu.memory_space<vmem>>, vector<1x16xi32>,
    %get3A_16 = vector.shape_cast %get3A_15 : vector<1x16xi32> to vector<16xi32>
    %slice3A_17 = vector.extract_strided_slice %get3A_16 {offsets = [0], sizes = [1], strides = [1]} : vector<16xi32> to vector<1xi32>
    %squeeze3A_18 = vector.extract %slice3A_17[0] : i32 from vector<1xi32>
    %ge3A = arith.constant 99840 : i32
    %ge3A_19 = arith.cmpi sge, %squeeze3A, %ge3A : i32
    %jit3A = arith.constant 3120 : i32
    %div3A = arith.divsi %squeeze3A, %jit3A : i32
    %sign3A = arith.constant 0 : i32
    %sign3A_20 = arith.cmpi sgt, %squeeze3A, %sign3A : i32
    %sign3A_21 = arith.extui %sign3A_20 : i1 to i32
    %sign3A_22 = arith.constant 0 : i32
    %sign3A_23 = arith.cmpi slt, %squeeze3A, %sign3A_22 : i32
    %sign3A_24 = arith.extui %sign3A_23 : i1 to i32
    %sign3A_25 = arith.subi %sign3A_21, %sign3A_24 : i32
    %sign3A_26 = arith.constant 0 : i32
    %sign3A_27 = arith.cmpi sgt, %jit3A, %sign3A_26 : i32
    %sign3A_28 = arith.extui %sign3A_27 : i1 to i32
    %sign3A_29 = arith.constant 0 : i32
    %sign3A_30 = arith.cmpi slt, %jit3A, %sign3A_29 : i32
    %sign3A_31 = arith.extui %sign3A_30 : i1 to i32
    %sign3A_32 = arith.subi %sign3A_28, %sign3A_31 : i32
    %ne3A = arith.cmpi ne, %sign3A_25, %sign3A_32 : i32
    %rem3A = arith.remsi %squeeze3A, %jit3A : i32
    %ne3A_33 = arith.constant 0 : i32
    %ne3A_34 = arith.cmpi ne, %rem3A, %ne3A_33 : i32
    %and3A = arith.andi %ne3A, %ne3A_34 : i1
    %sub3A = arith.constant 1 : i32
    %sub3A_35 = arith.subi %div3A, %sub3A : i32
    %select_n3A = arith.select %and3A, %sub3A_35, %div3A : i32
    %jit3A_36 = arith.constant 0 : i32
    %select_n3A_37 = arith.select %ge3A_19, %jit3A_36, %select_n3A : i32
    %ge3A_38 = arith.constant 12288 : i32
    %ge3A_39 = arith.cmpi sge, %squeeze3A_11, %ge3A_38 : i32
    %jit3A_40 = arith.constant 384 : i32
    %div3A_41 = arith.divsi %squeeze3A_11, %jit3A_40 : i32
    %sign3A_42 = arith.constant 0 : i32
    %sign3A_43 = arith.cmpi sgt, %squeeze3A_11, %sign3A_42 : i32
    %sign3A_44 = arith.extui %sign3A_43 : i1 to i32
    %sign3A_45 = arith.constant 0 : i32
    %sign3A_46 = arith.cmpi slt, %squeeze3A_11, %sign3A_45 : i32
    %sign3A_47 = arith.extui %sign3A_46 : i1 to i32
    %sign3A_48 = arith.subi %sign3A_44, %sign3A_47 : i32
    %sign3A_49 = arith.constant 0 : i32
    %sign3A_50 = arith.cmpi sgt, %jit3A_40, %sign3A_49 : i32
    %sign3A_51 = arith.extui %sign3A_50 : i1 to i32
    %sign3A_52 = arith.constant 0 : i32
    %sign3A_53 = arith.cmpi slt, %jit3A_40, %sign3A_52 : i32
    %sign3A_54 = arith.extui %sign3A_53 : i1 to i32
    %sign3A_55 = arith.subi %sign3A_51, %sign3A_54 : i32
    %ne3A_56 = arith.cmpi ne, %sign3A_48, %sign3A_55 : i32
    %rem3A_57 = arith.remsi %squeeze3A_11, %jit3A_40 : i32
    %ne3A_58 = arith.constant 0 : i32
    %ne3A_59 = arith.cmpi ne, %rem3A_57, %ne3A_58 : i32
    %and3A_60 = arith.andi %ne3A_56, %ne3A_59 : i1
    %sub3A_61 = arith.constant 1 : i32
    %sub3A_62 = arith.subi %div3A_41, %sub3A_61 : i32
    %select_n3A_63 = arith.select %and3A_60, %sub3A_62, %div3A_41 : i32
    %jit3A_64 = arith.constant 0 : i32
    %select_n3A_65 = arith.select %ge3A_39, %jit3A_64, %select_n3A_63 : i32
    %ge3A_66 = arith.constant 768 : i32
    %ge3A_67 = arith.cmpi sge, %squeeze3A_18, %ge3A_66 : i32
    %jit3A_68 = arith.constant 24 : i32
    %div3A_69 = arith.divsi %squeeze3A_18, %jit3A_68 : i32
    %sign3A_70 = arith.constant 0 : i32
    %sign3A_71 = arith.cmpi sgt, %squeeze3A_18, %sign3A_70 : i32
    %sign3A_72 = arith.extui %sign3A_71 : i1 to i32
    %sign3A_73 = arith.constant 0 : i32
    %sign3A_74 = arith.cmpi slt, %squeeze3A_18, %sign3A_73 : i32
    %sign3A_75 = arith.extui %sign3A_74 : i1 to i32
    %sign3A_76 = arith.subi %sign3A_72, %sign3A_75 : i32
    %sign3A_77 = arith.constant 0 : i32
    %sign3A_78 = arith.cmpi sgt, %jit3A_68, %sign3A_77 : i32
    %sign3A_79 = arith.extui %sign3A_78 : i1 to i32
    %sign3A_80 = arith.constant 0 : i32
    %sign3A_81 = arith.cmpi slt, %jit3A_68, %sign3A_80 : i32
    %sign3A_82 = arith.extui %sign3A_81 : i1 to i32
    %sign3A_83 = arith.subi %sign3A_79, %sign3A_82 : i32
    %ne3A_84 = arith.cmpi ne, %sign3A_76, %sign3A_83 : i32
    %rem3A_85 = arith.remsi %squeeze3A_18, %jit3A_68 : i32
    %ne3A_86 = arith.constant 0 : i32
    %ne3A_87 = arith.cmpi ne, %rem3A_85, %ne3A_86 : i32
    %and3A_88 = arith.andi %ne3A_84, %ne3A_87 : i1
    %sub3A_89 = arith.constant 1 : i32
    %sub3A_90 = arith.subi %div3A_69, %sub3A_89 : i32
    %select_n3A_91 = arith.select %and3A_88, %sub3A_90, %div3A_69 : i32
    %jit3A_92 = arith.constant 0 : i32
    %select_n3A_93 = arith.select %ge3A_67, %jit3A_92, %select_n3A_91 : i32
    %mul3A_94 = arith.constant 3120 : i32
    %mul3A_95 = arith.muli %add3A, %mul3A_94 : i32
    %mul3A_96 = arith.constant 3120 : i32
    %mul3A_97 = arith.muli %add3A, %mul3A_96 : i32
    %dma_start3A = arith.constant 0 : i32
    %dma_start3A_98 = tpu.memref_slice %arg12[%mul3A_97, %dma_start3A] : memref<100000x256xf32, #tpu.memory_space<hbm>> -> memref<3120x256xf32, #tpu.memory_space<hbm>>
    %dma_start3A_99 = arith.constant 0 : i32
    %dma_start3A_100 = tpu.memref_slice %arg9[%mul3A_95, %dma_start3A_99] : memref<100000x256xf32, #tpu.memory_space<hbm>> -> memref<3120x256xf32, #tpu.memory_space<hbm>>
    tpu.enqueue_dma source(%dma_start3A_100 : memref<3120x256xf32, #tpu.memory_space<hbm>>) target(%dma_start3A_98 : memref<3120x256xf32, #tpu.memory_space<hbm>>) target_semaphore(%arg21 : memref<!tpu.dma_semaphore, #tpu.memory_space<semaphore_mem>>)
    %mul3A_101 = arith.constant 384 : i32
    %mul3A_102 = arith.muli %add3A, %mul3A_101 : i32
    %mul3A_103 = arith.constant 384 : i32
    %mul3A_104 = arith.muli %add3A, %mul3A_103 : i32
    %dma_start3A_105 = arith.constant 0 : i32
    %dma_start3A_106 = tpu.memref_slice %arg10[%mul3A_104, %dma_start3A_105] : memref<12500x128xf32, #tpu.memory_space<hbm>> -> memref<384x128xf32, #tpu.memory_space<hbm>>
    %dma_start3A_107 = arith.constant 0 : i32
    %dma_start3A_108 = tpu.memref_slice %arg7[%mul3A_102, %dma_start3A_107] : memref<12500x128xf32, #tpu.memory_space<hbm>> -> memref<384x128xf32, #tpu.memory_space<hbm>>
    tpu.enqueue_dma source(%dma_start3A_108 : memref<384x128xf32, #tpu.memory_space<hbm>>) target(%dma_start3A_106 : memref<384x128xf32, #tpu.memory_space<hbm>>) target_semaphore(%arg21 : memref<!tpu.dma_semaphore, #tpu.memory_space<semaphore_mem>>)
    %mul3A_109 = arith.constant 24 : i32
    %mul3A_110 = arith.muli %add3A, %mul3A_109 : i32
    %mul3A_111 = arith.constant 24 : i32
    %mul3A_112 = arith.muli %add3A, %mul3A_111 : i32
    %dma_start3A_113 = arith.constant 0 : i32
    %dma_start3A_114 = tpu.memref_slice %arg11[%mul3A_112, %dma_start3A_113] : memref<782x128xi32, #tpu.memory_space<hbm>> -> memref<24x128xi32, #tpu.memory_space<hbm>>
    %dma_start3A_115 = arith.constant 0 : i32
    %dma_start3A_116 = tpu.memref_slice %arg8[%mul3A_110, %dma_start3A_115] : memref<782x128xi32, #tpu.memory_space<hbm>> -> memref<24x128xi32, #tpu.memory_space<hbm>>
    tpu.enqueue_dma source(%dma_start3A_116 : memref<24x128xi32, #tpu.memory_space<hbm>>) target(%dma_start3A_114 : memref<24x128xi32, #tpu.memory_space<hbm>>) target_semaphore(%arg21 : memref<!tpu.dma_semaphore, #tpu.memory_space<semaphore_mem>>)
    %dma_wait3A = arith.constant 0 : i32
    %dma_wait3A_117 = tpu.memref_slice %arg12[%mul3A_97, %dma_wait3A] : memref<100000x256xf32, #tpu.memory_space<hbm>> -> memref<3120x256xf32, #tpu.memory_space<hbm>>
    %dma_wait3A_118 = arith.constant 0 : i32
    %dma_wait3A_119 = tpu.memref_slice %arg9[%mul3A_95, %dma_wait3A_118] : memref<100000x256xf32, #tpu.memory_space<hbm>> -> memref<3120x256xf32, #tpu.memory_space<hbm>>
    tpu.wait_dma2 semaphore(%arg21 : memref<!tpu.dma_semaphore, #tpu.memory_space<semaphore_mem>>) src(%dma_wait3A_119 : memref<3120x256xf32, #tpu.memory_space<hbm>>) dst(%dma_wait3A_117 : memref<3120x256xf32, #tpu.memory_space<hbm>>)
    %dma_wait3A_120 = arith.constant 0 : i32
    %dma_wait3A_121 = tpu.memref_slice %arg10[%mul3A_104, %dma_wait3A_120] : memref<12500x128xf32, #tpu.memory_space<hbm>> -> memref<384x128xf32, #tpu.memory_space<hbm>>
    %dma_wait3A_122 = arith.constant 0 : i32
    %dma_wait3A_123 = tpu.memref_slice %arg7[%mul3A_102, %dma_wait3A_122] : memref<12500x128xf32, #tpu.memory_space<hbm>> -> memref<384x128xf32, #tpu.memory_space<hbm>>
    tpu.wait_dma2 semaphore(%arg21 : memref<!tpu.dma_semaphore, #tpu.memory_space<semaphore_mem>>) src(%dma_wait3A_123 : memref<384x128xf32, #tpu.memory_space<hbm>>) dst(%dma_wait3A_121 : memref<384x128xf32, #tpu.memory_space<hbm>>)
    %dma_wait3A_124 = arith.constant 0 : i32
    %dma_wait3A_125 = tpu.memref_slice %arg11[%mul3A_112, %dma_wait3A_124] : memref<782x128xi32, #tpu.memory_space<hbm>> -> memref<24x128xi32, #tpu.memory_space<hbm>>
    %dma_wait3A_126 = arith.constant 0 : i32
    %dma_wait3A_127 = tpu.memref_slice %arg8[%mul3A_110, %dma_wait3A_126] : memref<782x128xi32, #tpu.memory_space<hbm>> -> memref<24x128xi32, #tpu.memory_space<hbm>>
    tpu.wait_dma2 semaphore(%arg21 : memref<!tpu.dma_semaphore, #tpu.memory_space<semaphore_mem>>) src(%dma_wait3A_127 : memref<24x128xi32, #tpu.memory_space<hbm>>) dst(%dma_wait3A_125 : memref<24x128xi32, #tpu.memory_space<hbm>>)
    %eq3A = arith.constant 0 : i32
    %eq3A_128 = arith.cmpi eq, %add3A, %eq3A : i32
    %convert_element_type3A = arith.extui %eq3A_128 : i1 to i32
    %cond3A = arith.constant 0 : i32
    %cond3A_129 = arith.cmpi ne, %convert_element_type3A, %cond3A : i32
    scf.if %cond3A_129 {
      %dma_start3A_161 = arith.constant 99840 : i32
      %dma_start3A_162 = arith.constant 0 : i32
      %dma_start3A_163 = tpu.memref_slice %arg12[%dma_start3A_161, %dma_start3A_162] : memref<100000x256xf32, #tpu.memory_space<hbm>> -> memref<160x256xf32, #tpu.memory_space<hbm>>
      %dma_start3A_164 = arith.constant 99840 : i32
      %dma_start3A_165 = arith.constant 0 : i32
      %dma_start3A_166 = tpu.memref_slice %arg9[%dma_start3A_164, %dma_start3A_165] : memref<100000x256xf32, #tpu.memory_space<hbm>> -> memref<160x256xf32, #tpu.memory_space<hbm>>
      tpu.enqueue_dma source(%dma_start3A_166 : memref<160x256xf32, #tpu.memory_space<hbm>>) target(%dma_start3A_163 : memref<160x256xf32, #tpu.memory_space<hbm>>) target_semaphore(%arg21 : memref<!tpu.dma_semaphore, #tpu.memory_space<semaphore_mem>>)
      %dma_start3A_167 = arith.constant 12288 : i32
      %dma_start3A_168 = arith.constant 0 : i32
      %dma_start3A_169 = tpu.memref_slice %arg10[%dma_start3A_167, %dma_start3A_168] : memref<12500x128xf32, #tpu.memory_space<hbm>> -> memref<212x128xf32, #tpu.memory_space<hbm>>
      %dma_start3A_170 = arith.constant 12288 : i32
      %dma_start3A_171 = arith.constant 0 : i32
      %dma_start3A_172 = tpu.memref_slice %arg7[%dma_start3A_170, %dma_start3A_171] : memref<12500x128xf32, #tpu.memory_space<hbm>> -> memref<212x128xf32, #tpu.memory_space<hbm>>
      tpu.enqueue_dma source(%dma_start3A_172 : memref<212x128xf32, #tpu.memory_space<hbm>>) target(%dma_start3A_169 : memref<212x128xf32, #tpu.memory_space<hbm>>) target_semaphore(%arg21 : memref<!tpu.dma_semaphore, #tpu.memory_space<semaphore_mem>>)
      %dma_start3A_173 = arith.constant 768 : i32
      %dma_start3A_174 = arith.constant 0 : i32
      %dma_start3A_175 = tpu.memref_slice %arg11[%dma_start3A_173, %dma_start3A_174] : memref<782x128xi32, #tpu.memory_space<hbm>> -> memref<14x128xi32, #tpu.memory_space<hbm>>
      %dma_start3A_176 = arith.constant 768 : i32
      %dma_start3A_177 = arith.constant 0 : i32
      %dma_start3A_178 = tpu.memref_slice %arg8[%dma_start3A_176, %dma_start3A_177] : memref<782x128xi32, #tpu.memory_space<hbm>> -> memref<14x128xi32, #tpu.memory_space<hbm>>
      tpu.enqueue_dma source(%dma_start3A_178 : memref<14x128xi32, #tpu.memory_space<hbm>>) target(%dma_start3A_175 : memref<14x128xi32, #tpu.memory_space<hbm>>) target_semaphore(%arg21 : memref<!tpu.dma_semaphore, #tpu.memory_space<semaphore_mem>>)
      %dma_wait3A_179 = arith.constant 99840 : i32
      %dma_wait3A_180 = arith.constant 0 : i32
      %dma_wait3A_181 = tpu.memref_slice %arg12[%dma_wait3A_179, %dma_wait3A_180] : memref<100000x256xf32, #tpu.memory_space<hbm>> -> memref<160x256xf32, #tpu.memory_space<hbm>>
      %dma_wait3A_182 = arith.constant 99840 : i32
      %dma_wait3A_183 = arith.constant 0 : i32
      %dma_wait3A_184 = tpu.memref_slice %arg9[%dma_wait3A_182, %dma_wait3A_183] : memref<100000x256xf32, #tpu.memory_space<hbm>> -> memref<160x256xf32, #tpu.memory_space<hbm>>
      tpu.wait_dma2 semaphore(%arg21 : memref<!tpu.dma_semaphore, #tpu.memory_space<semaphore_mem>>) src(%dma_wait3A_184 : memref<160x256xf32, #tpu.memory_space<hbm>>) dst(%dma_wait3A_181 : memref<160x256xf32, #tpu.memory_space<hbm>>)
      %dma_wait3A_185 = arith.constant 12288 : i32
      %dma_wait3A_186 = arith.constant 0 : i32
      %dma_wait3A_187 = tpu.memref_slice %arg10[%dma_wait3A_185, %dma_wait3A_186] : memref<12500x128xf32, #tpu.memory_space<hbm>> -> memref<212x128xf32, #tpu.memory_space<hbm>>
      %dma_wait3A_188 = arith.constant 12288 : i32
      %dma_wait3A_189 = arith.constant 0 : i32
      %dma_wait3A_190 = tpu.memref_slice %arg7[%dma_wait3A_188, %dma_wait3A_189] : memref<12500x128xf32, #tpu.memory_space<hbm>> -> memref<212x128xf32, #tpu.memory_space<hbm>>
      tpu.wait_dma2 semaphore(%arg21 : memref<!tpu.dma_semaphore, #tpu.memory_space<semaphore_mem>>) src(%dma_wait3A_190 : memref<212x128xf32, #tpu.memory_space<hbm>>) dst(%dma_wait3A_187 : memref<212x128xf32, #tpu.memory_space<hbm>>)
      %dma_wait3A_191 = arith.constant 768 : i32
      %dma_wait3A_192 = arith.constant 0 : i32
      %dma_wait3A_193 = tpu.memref_slice %arg11[%dma_wait3A_191, %dma_wait3A_192] : memref<782x128xi32, #tpu.memory_space<hbm>> -> memref<14x128xi32, #tpu.memory_space<hbm>>
      %dma_wait3A_194 = arith.constant 768 : i32
      %dma_wait3A_195 = arith.constant 0 : i32
      %dma_wait3A_196 = tpu.memref_slice %arg8[%dma_wait3A_194, %dma_wait3A_195] : memref<782x128xi32, #tpu.memory_space<hbm>> -> memref<14x128xi32, #tpu.memory_space<hbm>>
      tpu.wait_dma2 semaphore(%arg21 : memref<!tpu.dma_semaphore, #tpu.memory_space<semaphore_mem>>) src(%dma_wait3A_196 : memref<14x128xi32, #tpu.memory_space<hbm>>) dst(%dma_wait3A_193 : memref<14x128xi32, #tpu.memory_space<hbm>>)
    } else {
    }
    %get3A_130 = arith.constant 0 : index
    %get3A_131 = tpu.vector_load %arg17[%get3A_130] {strides = array<i32>} : memref<16xf32, #tpu.memory_space<vmem>>, vector<16xf32>,
    %get3A_132 = vector.shape_cast %get3A_131 : vector<16xf32> to vector<16xf32>
    %get3A_133 = arith.constant 0 : i32
    %get3A_134 = arith.index_cast %get3A_133 : i32 to index
    %get3A_135 = arith.constant 0 : index
    %get3A_136 = tpu.vector_load %arg16[%get3A_134, %get3A_135] {strides = array<i32>} : memref<6x16xi32, #tpu.memory_space<vmem>>, vector<1x16xi32>,
    %get3A_137 = vector.shape_cast %get3A_136 : vector<1x16xi32> to vector<16xi32>
    %get3A_138 = arith.constant 1 : i32
    %get3A_139 = arith.index_cast %get3A_138 : i32 to index
    %get3A_140 = arith.constant 0 : index
    %get3A_141 = tpu.vector_load %arg16[%get3A_139, %get3A_140] {strides = array<i32>} : memref<6x16xi32, #tpu.memory_space<vmem>>, vector<1x16xi32>,
    %get3A_142 = vector.shape_cast %get3A_141 : vector<1x16xi32> to vector<16xi32>
    %get3A_143 = arith.constant 2 : i32
    %get3A_144 = arith.index_cast %get3A_143 : i32 to index
    %get3A_145 = arith.constant 0 : index
    %get3A_146 = tpu.vector_load %arg16[%get3A_144, %get3A_145] {strides = array<i32>} : memref<6x16xi32, #tpu.memory_space<vmem>>, vector<1x16xi32>,
    %get3A_147 = vector.shape_cast %get3A_146 : vector<1x16xi32> to vector<16xi32>
    %iota3A = tpu.iota {dimensions = array<i32: 0>} : vector<16xi32>
    %broadcast_in_dim3A = arith.constant 0.000000e+00 : f32
    %broadcast_in_dim3A_148 = vector.broadcast %broadcast_in_dim3A : f32 to vector<16xf32>
    %eq3A_149 = arith.cmpi eq, %add3A, %select_n3A_65 : i32
    %convert_element_type3A_150 = arith.extui %eq3A_149 : i1 to i32
    %cond3A_151 = arith.constant 0 : i32
    %cond3A_152 = arith.cmpi ne, %convert_element_type3A_150, %cond3A_151 : i32
    scf.if %cond3A_152 {
      %dma_start3A_161 = arith.constant 0 : i32
      %dma_start3A_162 = arith.constant 0 : i32
      %dma_start3A_163 = tpu.memref_slice %arg10[%dma_start3A_161, %dma_start3A_162] : memref<12500x128xf32, #tpu.memory_space<hbm>> -> memref<12500x128xf32, #tpu.memory_space<hbm>>
      tpu.enqueue_indirect_dma source(%dma_start3A_163 : memref<12500x128xf32, #tpu.memory_space<hbm>>) target(%arg18 : memref<1x128xf32, #tpu.memory_space<vmem>>) offsets(%arg13 : memref<1xi32, #tpu.memory_space<vmem>>) semaphore(%arg21 : memref<!tpu.dma_semaphore, #tpu.memory_space<semaphore_mem>>)
      %dma_wait3A_164 = arith.constant 0 : i32
      %dma_wait3A_165 = arith.constant 0 : i32
      %dma_wait3A_166 = tpu.memref_slice %arg10[%dma_wait3A_164, %dma_wait3A_165] : memref<12500x128xf32, #tpu.memory_space<hbm>> -> memref<12500x128xf32, #tpu.memory_space<hbm>>
      tpu.wait_indirect_dma semaphore(%arg21 : memref<!tpu.dma_semaphore, #tpu.memory_space<semaphore_mem>>) src(%dma_wait3A_166 : memref<12500x128xf32, #tpu.memory_space<hbm>>) dst(%arg18 : memref<1x128xf32, #tpu.memory_space<vmem>>)
      %get3A_167 = arith.constant 0 : i32
      %get3A_168 = arith.index_cast %get3A_167 : i32 to index
      %get3A_169 = arith.constant 0 : index
      %get3A_170 = tpu.vector_load %arg18[%get3A_168, %get3A_169] {strides = array<i32>} : memref<1x128xf32, #tpu.memory_space<vmem>>, vector<1x16xf32>,
      %get3A_171 = vector.shape_cast %get3A_170 : vector<1x16xf32> to vector<16xf32>
      %eq3A_172 = arith.constant 0 : i32
      %eq3A_173 = vector.broadcast %eq3A_172 : i32 to vector<16xi32>
      %eq3A_174 = arith.cmpi eq, %get3A_137, %eq3A_173 : vector<16xi32>
      %select_n3A_175 = arith.select %eq3A_174, %get3A_132, %broadcast_in_dim3A_148 : vector<16xi1>, vector<16xf32>
      %add3A_176 = arith.addf %get3A_171, %select_n3A_175 : vector<16xf32>
      %swap3A = arith.constant 0 : i32
      %swap3A_177 = arith.index_cast %swap3A : i32 to index
      %swap3A_178 = arith.constant 0 : index
      %swap3A_179 = tpu.vector_load %arg18[%swap3A_177, %swap3A_178] {strides = array<i32>} : memref<1x128xf32, #tpu.memory_space<vmem>>, vector<1x16xf32>,
      %swap3A_180 = vector.shape_cast %swap3A_179 : vector<1x16xf32> to vector<16xf32>
      %swap3A_181 = vector.shape_cast %add3A_176 : vector<16xf32> to vector<1x16xf32>
      tpu.vector_store %arg18[%swap3A_177, %swap3A_178], %swap3A_181 {strides = array<i32>} : memref<1x128xf32, #tpu.memory_space<vmem>>, vector<1x16xf32>,
      %get3A_182 = arith.constant 0 : i32
      %get3A_183 = arith.index_cast %get3A_182 : i32 to index
      %get3A_184 = arith.constant 16 : index
      %get3A_185 = tpu.vector_load %arg18[%get3A_183, %get3A_184] {strides = array<i32>} : memref<1x128xf32, #tpu.memory_space<vmem>>, vector<1x16xf32>,
      %get3A_186 = vector.shape_cast %get3A_185 : vector<1x16xf32> to vector<16xf32>
      %eq3A_187 = arith.constant 1 : i32
      %eq3A_188 = vector.broadcast %eq3A_187 : i32 to vector<16xi32>
      %eq3A_189 = arith.cmpi eq, %get3A_137, %eq3A_188 : vector<16xi32>
      %select_n3A_190 = arith.select %eq3A_189, %get3A_132, %broadcast_in_dim3A_148 : vector<16xi1>, vector<16xf32>
      %add3A_191 = arith.addf %get3A_186, %select_n3A_190 : vector<16xf32>
      %swap3A_192 = arith.constant 0 : i32
      %swap3A_193 = arith.index_cast %swap3A_192 : i32 to index
      %swap3A_194 = arith.constant 16 : index
      %swap3A_195 = tpu.vector_load %arg18[%swap3A_193, %swap3A_194] {strides = array<i32>} : memref<1x128xf32, #tpu.memory_space<vmem>>, vector<1x16xf32>,
      %swap3A_196 = vector.shape_cast %swap3A_195 : vector<1x16xf32> to vector<16xf32>
      %swap3A_197 = vector.shape_cast %add3A_191 : vector<16xf32> to vector<1x16xf32>
      tpu.vector_store %arg18[%swap3A_193, %swap3A_194], %swap3A_197 {strides = array<i32>} : memref<1x128xf32, #tpu.memory_space<vmem>>, vector<1x16xf32>,
      %get3A_198 = arith.constant 0 : i32
      %get3A_199 = arith.index_cast %get3A_198 : i32 to index
      %get3A_200 = arith.constant 32 : index
      %get3A_201 = tpu.vector_load %arg18[%get3A_199, %get3A_200] {strides = array<i32>} : memref<1x128xf32, #tpu.memory_space<vmem>>, vector<1x16xf32>,
      %get3A_202 = vector.shape_cast %get3A_201 : vector<1x16xf32> to vector<16xf32>
      %eq3A_203 = arith.constant 2 : i32
      %eq3A_204 = vector.broadcast %eq3A_203 : i32 to vector<16xi32>
      %eq3A_205 = arith.cmpi eq, %get3A_137, %eq3A_204 : vector<16xi32>
      %select_n3A_206 = arith.select %eq3A_205, %get3A_132, %broadcast_in_dim3A_148 : vector<16xi1>, vector<16xf32>
      %add3A_207 = arith.addf %get3A_202, %select_n3A_206 : vector<16xf32>
      %swap3A_208 = arith.constant 0 : i32
      %swap3A_209 = arith.index_cast %swap3A_208 : i32 to index
      %swap3A_210 = arith.constant 32 : index
      %swap3A_211 = tpu.vector_load %arg18[%swap3A_209, %swap3A_210] {strides = array<i32>} : memref<1x128xf32, #tpu.memory_space<vmem>>, vector<1x16xf32>,
      %swap3A_212 = vector.shape_cast %swap3A_211 : vector<1x16xf32> to vector<16xf32>
      %swap3A_213 = vector.shape_cast %add3A_207 : vector<16xf32> to vector<1x16xf32>
      tpu.vector_store %arg18[%swap3A_209, %swap3A_210], %swap3A_213 {strides = array<i32>} : memref<1x128xf32, #tpu.memory_space<vmem>>, vector<1x16xf32>,
      %get3A_214 = arith.constant 0 : i32
      %get3A_215 = arith.index_cast %get3A_214 : i32 to index
      %get3A_216 = arith.constant 48 : index
      %get3A_217 = tpu.vector_load %arg18[%get3A_215, %get3A_216] {strides = array<i32>} : memref<1x128xf32, #tpu.memory_space<vmem>>, vector<1x16xf32>,
      %get3A_218 = vector.shape_cast %get3A_217 : vector<1x16xf32> to vector<16xf32>
      %eq3A_219 = arith.constant 3 : i32
      %eq3A_220 = vector.broadcast %eq3A_219 : i32 to vector<16xi32>
      %eq3A_221 = arith.cmpi eq, %get3A_137, %eq3A_220 : vector<16xi32>
      %select_n3A_222 = arith.select %eq3A_221, %get3A_132, %broadcast_in_dim3A_148 : vector<16xi1>, vector<16xf32>
      %add3A_223 = arith.addf %get3A_218, %select_n3A_222 : vector<16xf32>
      %swap3A_224 = arith.constant 0 : i32
      %swap3A_225 = arith.index_cast %swap3A_224 : i32 to index
      %swap3A_226 = arith.constant 48 : index
      %swap3A_227 = tpu.vector_load %arg18[%swap3A_225, %swap3A_226] {strides = array<i32>} : memref<1x128xf32, #tpu.memory_space<vmem>>, vector<1x16xf32>,
      %swap3A_228 = vector.shape_cast %swap3A_227 : vector<1x16xf32> to vector<16xf32>
      %swap3A_229 = vector.shape_cast %add3A_223 : vector<16xf32> to vector<1x16xf32>
      tpu.vector_store %arg18[%swap3A_225, %swap3A_226], %swap3A_229 {strides = array<i32>} : memref<1x128xf32, #tpu.memory_space<vmem>>, vector<1x16xf32>,
      %get3A_230 = arith.constant 0 : i32
      %get3A_231 = arith.index_cast %get3A_230 : i32 to index
      %get3A_232 = arith.constant 64 : index
      %get3A_233 = tpu.vector_load %arg18[%get3A_231, %get3A_232] {strides = array<i32>} : memref<1x128xf32, #tpu.memory_space<vmem>>, vector<1x16xf32>,
      %get3A_234 = vector.shape_cast %get3A_233 : vector<1x16xf32> to vector<16xf32>
      %eq3A_235 = arith.constant 4 : i32
      %eq3A_236 = vector.broadcast %eq3A_235 : i32 to vector<16xi32>
      %eq3A_237 = arith.cmpi eq, %get3A_137, %eq3A_236 : vector<16xi32>
      %select_n3A_238 = arith.select %eq3A_237, %get3A_132, %broadcast_in_dim3A_148 : vector<16xi1>, vector<16xf32>
      %add3A_239 = arith.addf %get3A_234, %select_n3A_238 : vector<16xf32>
      %swap3A_240 = arith.constant 0 : i32
      %swap3A_241 = arith.index_cast %swap3A_240 : i32 to index
      %swap3A_242 = arith.constant 64 : index
      %swap3A_243 = tpu.vector_load %arg18[%swap3A_241, %swap3A_242] {strides = array<i32>} : memref<1x128xf32, #tpu.memory_space<vmem>>, vector<1x16xf32>,
      %swap3A_244 = vector.shape_cast %swap3A_243 : vector<1x16xf32> to vector<16xf32>
      %swap3A_245 = vector.shape_cast %add3A_239 : vector<16xf32> to vector<1x16xf32>
      tpu.vector_store %arg18[%swap3A_241, %swap3A_242], %swap3A_245 {strides = array<i32>} : memref<1x128xf32, #tpu.memory_space<vmem>>, vector<1x16xf32>,
      %get3A_246 = arith.constant 0 : i32
      %get3A_247 = arith.index_cast %get3A_246 : i32 to index
      %get3A_248 = arith.constant 80 : index
      %get3A_249 = tpu.vector_load %arg18[%get3A_247, %get3A_248] {strides = array<i32>} : memref<1x128xf32, #tpu.memory_space<vmem>>, vector<1x16xf32>,
      %get3A_250 = vector.shape_cast %get3A_249 : vector<1x16xf32> to vector<16xf32>
      %eq3A_251 = arith.constant 5 : i32
      %eq3A_252 = vector.broadcast %eq3A_251 : i32 to vector<16xi32>
      %eq3A_253 = arith.cmpi eq, %get3A_137, %eq3A_252 : vector<16xi32>
      %select_n3A_254 = arith.select %eq3A_253, %get3A_132, %broadcast_in_dim3A_148 : vector<16xi1>, vector<16xf32>
      %add3A_255 = arith.addf %get3A_250, %select_n3A_254 : vector<16xf32>
      %swap3A_256 = arith.constant 0 : i32
      %swap3A_257 = arith.index_cast %swap3A_256 : i32 to index
      %swap3A_258 = arith.constant 80 : index
      %swap3A_259 = tpu.vector_load %arg18[%swap3A_257, %swap3A_258] {strides = array<i32>} : memref<1x128xf32, #tpu.memory_space<vmem>>, vector<1x16xf32>,
      %swap3A_260 = vector.shape_cast %swap3A_259 : vector<1x16xf32> to vector<16xf32>
      %swap3A_261 = vector.shape_cast %add3A_255 : vector<16xf32> to vector<1x16xf32>
      tpu.vector_store %arg18[%swap3A_257, %swap3A_258], %swap3A_261 {strides = array<i32>} : memref<1x128xf32, #tpu.memory_space<vmem>>, vector<1x16xf32>,
      %get3A_262 = arith.constant 0 : i32
      %get3A_263 = arith.index_cast %get3A_262 : i32 to index
      %get3A_264 = arith.constant 96 : index
      %get3A_265 = tpu.vector_load %arg18[%get3A_263, %get3A_264] {strides = array<i32>} : memref<1x128xf32, #tpu.memory_space<vmem>>, vector<1x16xf32>,
      %get3A_266 = vector.shape_cast %get3A_265 : vector<1x16xf32> to vector<16xf32>
      %eq3A_267 = arith.constant 6 : i32
      %eq3A_268 = vector.broadcast %eq3A_267 : i32 to vector<16xi32>
      %eq3A_269 = arith.cmpi eq, %get3A_137, %eq3A_268 : vector<16xi32>
      %select_n3A_270 = arith.select %eq3A_269, %get3A_132, %broadcast_in_dim3A_148 : vector<16xi1>, vector<16xf32>
      %add3A_271 = arith.addf %get3A_266, %select_n3A_270 : vector<16xf32>
      %swap3A_272 = arith.constant 0 : i32
      %swap3A_273 = arith.index_cast %swap3A_272 : i32 to index
      %swap3A_274 = arith.constant 96 : index
      %swap3A_275 = tpu.vector_load %arg18[%swap3A_273, %swap3A_274] {strides = array<i32>} : memref<1x128xf32, #tpu.memory_space<vmem>>, vector<1x16xf32>,
      %swap3A_276 = vector.shape_cast %swap3A_275 : vector<1x16xf32> to vector<16xf32>
      %swap3A_277 = vector.shape_cast %add3A_271 : vector<16xf32> to vector<1x16xf32>
      tpu.vector_store %arg18[%swap3A_273, %swap3A_274], %swap3A_277 {strides = array<i32>} : memref<1x128xf32, #tpu.memory_space<vmem>>, vector<1x16xf32>,
      %get3A_278 = arith.constant 0 : i32
      %get3A_279 = arith.index_cast %get3A_278 : i32 to index
      %get3A_280 = arith.constant 112 : index
      %get3A_281 = tpu.vector_load %arg18[%get3A_279, %get3A_280] {strides = array<i32>} : memref<1x128xf32, #tpu.memory_space<vmem>>, vector<1x16xf32>,
      %get3A_282 = vector.shape_cast %get3A_281 : vector<1x16xf32> to vector<16xf32>
      %eq3A_283 = arith.constant 7 : i32
      %eq3A_284 = vector.broadcast %eq3A_283 : i32 to vector<16xi32>
      %eq3A_285 = arith.cmpi eq, %get3A_137, %eq3A_284 : vector<16xi32>
      %select_n3A_286 = arith.select %eq3A_285, %get3A_132, %broadcast_in_dim3A_148 : vector<16xi1>, vector<16xf32>
      %add3A_287 = arith.addf %get3A_282, %select_n3A_286 : vector<16xf32>
      %swap3A_288 = arith.constant 0 : i32
      %swap3A_289 = arith.index_cast %swap3A_288 : i32 to index
      %swap3A_290 = arith.constant 112 : index
      %swap3A_291 = tpu.vector_load %arg18[%swap3A_289, %swap3A_290] {strides = array<i32>} : memref<1x128xf32, #tpu.memory_space<vmem>>, vector<1x16xf32>,
      %swap3A_292 = vector.shape_cast %swap3A_291 : vector<1x16xf32> to vector<16xf32>
      %swap3A_293 = vector.shape_cast %add3A_287 : vector<16xf32> to vector<1x16xf32>
      tpu.vector_store %arg18[%swap3A_289, %swap3A_290], %swap3A_293 {strides = array<i32>} : memref<1x128xf32, #tpu.memory_space<vmem>>, vector<1x16xf32>,
      %dma_start3A_294 = arith.constant 0 : i32
      %dma_start3A_295 = arith.constant 0 : i32
      %dma_start3A_296 = tpu.memref_slice %arg10[%dma_start3A_294, %dma_start3A_295] : memref<12500x128xf32, #tpu.memory_space<hbm>> -> memref<12500x128xf32, #tpu.memory_space<hbm>>
      tpu.enqueue_indirect_dma source(%arg18 : memref<1x128xf32, #tpu.memory_space<vmem>>) target(%dma_start3A_296 : memref<12500x128xf32, #tpu.memory_space<hbm>>) offsets(%arg13 : memref<1xi32, #tpu.memory_space<vmem>>) semaphore(%arg21 : memref<!tpu.dma_semaphore, #tpu.memory_space<semaphore_mem>>)
      %dma_wait3A_297 = arith.constant 0 : i32
      %dma_wait3A_298 = arith.constant 0 : i32
      %dma_wait3A_299 = tpu.memref_slice %arg10[%dma_wait3A_297, %dma_wait3A_298] : memref<12500x128xf32, #tpu.memory_space<hbm>> -> memref<12500x128xf32, #tpu.memory_space<hbm>>
      tpu.wait_indirect_dma semaphore(%arg21 : memref<!tpu.dma_semaphore, #tpu.memory_space<semaphore_mem>>) src(%arg18 : memref<1x128xf32, #tpu.memory_space<vmem>>) dst(%dma_wait3A_299 : memref<12500x128xf32, #tpu.memory_space<hbm>>)
    } else {
    }
    %eq3A_153 = arith.cmpi eq, %add3A, %select_n3A_93 : i32
    %convert_element_type3A_154 = arith.extui %eq3A_153 : i1 to i32
    %cond3A_155 = arith.constant 0 : i32
    %cond3A_156 = arith.cmpi ne, %convert_element_type3A_154, %cond3A_155 : i32
    scf.if %cond3A_156 {
      %dma_start3A_161 = arith.constant 0 : i32
      %dma_start3A_162 = arith.constant 0 : i32
      %dma_start3A_163 = tpu.memref_slice %arg11[%dma_start3A_161, %dma_start3A_162] : memref<782x128xi32, #tpu.memory_space<hbm>> -> memref<782x128xi32, #tpu.memory_space<hbm>>
      tpu.enqueue_indirect_dma source(%dma_start3A_163 : memref<782x128xi32, #tpu.memory_space<hbm>>) target(%arg19 : memref<1x128xi32, #tpu.memory_space<vmem>>) offsets(%arg14 : memref<1xi32, #tpu.memory_space<vmem>>) semaphore(%arg21 : memref<!tpu.dma_semaphore, #tpu.memory_space<semaphore_mem>>)
      %dma_wait3A_164 = arith.constant 0 : i32
      %dma_wait3A_165 = arith.constant 0 : i32
      %dma_wait3A_166 = tpu.memref_slice %arg11[%dma_wait3A_164, %dma_wait3A_165] : memref<782x128xi32, #tpu.memory_space<hbm>> -> memref<782x128xi32, #tpu.memory_space<hbm>>
      tpu.wait_indirect_dma semaphore(%arg21 : memref<!tpu.dma_semaphore, #tpu.memory_space<semaphore_mem>>) src(%dma_wait3A_166 : memref<782x128xi32, #tpu.memory_space<hbm>>) dst(%arg19 : memref<1x128xi32, #tpu.memory_space<vmem>>)
      %eq3A_167 = arith.constant 0 : i32
      %eq3A_168 = vector.broadcast %eq3A_167 : i32 to vector<16xi32>
      %eq3A_169 = arith.cmpi eq, %get3A_142, %eq3A_168 : vector<16xi32>
      %eq3A_170 = arith.cmpi eq, %iota3A, %get3A_147 : vector<16xi32>
      %and3A_171 = arith.andi %eq3A_169, %eq3A_170 : vector<16xi1>
      %get3A_172 = arith.constant 0 : i32
      %get3A_173 = arith.index_cast %get3A_172 : i32 to index
      %get3A_174 = arith.constant 0 : index
      %get3A_175 = tpu.vector_load %arg19[%get3A_173, %get3A_174] {strides = array<i32>} : memref<1x128xi32, #tpu.memory_space<vmem>>, vector<1x16xi32>,
      %get3A_176 = vector.shape_cast %get3A_175 : vector<1x16xi32> to vector<16xi32>
      %jit3A_177 = arith.constant 1 : i32
      %jit3A_178 = arith.constant 0 : i32
      %broadcast_in_dim3A_179 = vector.broadcast %jit3A_177 : i32 to vector<16xi32>
      %broadcast_in_dim3A_180 = vector.broadcast %jit3A_178 : i32 to vector<16xi32>
      %select_n3A_181 = arith.select %and3A_171, %broadcast_in_dim3A_179, %broadcast_in_dim3A_180 : vector<16xi1>, vector<16xi32>
      %add3A_182 = arith.addi %get3A_176, %select_n3A_181 : vector<16xi32>
      %swap3A = arith.constant 0 : i32
      %swap3A_183 = arith.index_cast %swap3A : i32 to index
      %swap3A_184 = arith.constant 0 : index
      %swap3A_185 = tpu.vector_load %arg19[%swap3A_183, %swap3A_184] {strides = array<i32>} : memref<1x128xi32, #tpu.memory_space<vmem>>, vector<1x16xi32>,
      %swap3A_186 = vector.shape_cast %swap3A_185 : vector<1x16xi32> to vector<16xi32>
      %swap3A_187 = vector.shape_cast %add3A_182 : vector<16xi32> to vector<1x16xi32>
      tpu.vector_store %arg19[%swap3A_183, %swap3A_184], %swap3A_187 {strides = array<i32>} : memref<1x128xi32, #tpu.memory_space<vmem>>, vector<1x16xi32>,
      %eq3A_188 = arith.constant 1 : i32
      %eq3A_189 = vector.broadcast %eq3A_188 : i32 to vector<16xi32>
      %eq3A_190 = arith.cmpi eq, %get3A_142, %eq3A_189 : vector<16xi32>
      %eq3A_191 = arith.cmpi eq, %iota3A, %get3A_147 : vector<16xi32>
      %and3A_192 = arith.andi %eq3A_190, %eq3A_191 : vector<16xi1>
      %get3A_193 = arith.constant 0 : i32
      %get3A_194 = arith.index_cast %get3A_193 : i32 to index
      %get3A_195 = arith.constant 16 : index
      %get3A_196 = tpu.vector_load %arg19[%get3A_194, %get3A_195] {strides = array<i32>} : memref<1x128xi32, #tpu.memory_space<vmem>>, vector<1x16xi32>,
      %get3A_197 = vector.shape_cast %get3A_196 : vector<1x16xi32> to vector<16xi32>
      %jit3A_198 = arith.constant 1 : i32
      %jit3A_199 = arith.constant 0 : i32
      %broadcast_in_dim3A_200 = vector.broadcast %jit3A_198 : i32 to vector<16xi32>
      %broadcast_in_dim3A_201 = vector.broadcast %jit3A_199 : i32 to vector<16xi32>
      %select_n3A_202 = arith.select %and3A_192, %broadcast_in_dim3A_200, %broadcast_in_dim3A_201 : vector<16xi1>, vector<16xi32>
      %add3A_203 = arith.addi %get3A_197, %select_n3A_202 : vector<16xi32>
      %swap3A_204 = arith.constant 0 : i32
      %swap3A_205 = arith.index_cast %swap3A_204 : i32 to index
      %swap3A_206 = arith.constant 16 : index
      %swap3A_207 = tpu.vector_load %arg19[%swap3A_205, %swap3A_206] {strides = array<i32>} : memref<1x128xi32, #tpu.memory_space<vmem>>, vector<1x16xi32>,
      %swap3A_208 = vector.shape_cast %swap3A_207 : vector<1x16xi32> to vector<16xi32>
      %swap3A_209 = vector.shape_cast %add3A_203 : vector<16xi32> to vector<1x16xi32>
      tpu.vector_store %arg19[%swap3A_205, %swap3A_206], %swap3A_209 {strides = array<i32>} : memref<1x128xi32, #tpu.memory_space<vmem>>, vector<1x16xi32>,
      %eq3A_210 = arith.constant 2 : i32
      %eq3A_211 = vector.broadcast %eq3A_210 : i32 to vector<16xi32>
      %eq3A_212 = arith.cmpi eq, %get3A_142, %eq3A_211 : vector<16xi32>
      %eq3A_213 = arith.cmpi eq, %iota3A, %get3A_147 : vector<16xi32>
      %and3A_214 = arith.andi %eq3A_212, %eq3A_213 : vector<16xi1>
      %get3A_215 = arith.constant 0 : i32
      %get3A_216 = arith.index_cast %get3A_215 : i32 to index
      %get3A_217 = arith.constant 32 : index
      %get3A_218 = tpu.vector_load %arg19[%get3A_216, %get3A_217] {strides = array<i32>} : memref<1x128xi32, #tpu.memory_space<vmem>>, vector<1x16xi32>,
      %get3A_219 = vector.shape_cast %get3A_218 : vector<1x16xi32> to vector<16xi32>
      %jit3A_220 = arith.constant 1 : i32
      %jit3A_221 = arith.constant 0 : i32
      %broadcast_in_dim3A_222 = vector.broadcast %jit3A_220 : i32 to vector<16xi32>
      %broadcast_in_dim3A_223 = vector.broadcast %jit3A_221 : i32 to vector<16xi32>
      %select_n3A_224 = arith.select %and3A_214, %broadcast_in_dim3A_222, %broadcast_in_dim3A_223 : vector<16xi1>, vector<16xi32>
      %add3A_225 = arith.addi %get3A_219, %select_n3A_224 : vector<16xi32>
      %swap3A_226 = arith.constant 0 : i32
      %swap3A_227 = arith.index_cast %swap3A_226 : i32 to index
      %swap3A_228 = arith.constant 32 : index
      %swap3A_229 = tpu.vector_load %arg19[%swap3A_227, %swap3A_228] {strides = array<i32>} : memref<1x128xi32, #tpu.memory_space<vmem>>, vector<1x16xi32>,
      %swap3A_230 = vector.shape_cast %swap3A_229 : vector<1x16xi32> to vector<16xi32>
      %swap3A_231 = vector.shape_cast %add3A_225 : vector<16xi32> to vector<1x16xi32>
      tpu.vector_store %arg19[%swap3A_227, %swap3A_228], %swap3A_231 {strides = array<i32>} : memref<1x128xi32, #tpu.memory_space<vmem>>, vector<1x16xi32>,
      %eq3A_232 = arith.constant 3 : i32
      %eq3A_233 = vector.broadcast %eq3A_232 : i32 to vector<16xi32>
      %eq3A_234 = arith.cmpi eq, %get3A_142, %eq3A_233 : vector<16xi32>
      %eq3A_235 = arith.cmpi eq, %iota3A, %get3A_147 : vector<16xi32>
      %and3A_236 = arith.andi %eq3A_234, %eq3A_235 : vector<16xi1>
      %get3A_237 = arith.constant 0 : i32
      %get3A_238 = arith.index_cast %get3A_237 : i32 to index
      %get3A_239 = arith.constant 48 : index
      %get3A_240 = tpu.vector_load %arg19[%get3A_238, %get3A_239] {strides = array<i32>} : memref<1x128xi32, #tpu.memory_space<vmem>>, vector<1x16xi32>,
      %get3A_241 = vector.shape_cast %get3A_240 : vector<1x16xi32> to vector<16xi32>
      %jit3A_242 = arith.constant 1 : i32
      %jit3A_243 = arith.constant 0 : i32
      %broadcast_in_dim3A_244 = vector.broadcast %jit3A_242 : i32 to vector<16xi32>
      %broadcast_in_dim3A_245 = vector.broadcast %jit3A_243 : i32 to vector<16xi32>
      %select_n3A_246 = arith.select %and3A_236, %broadcast_in_dim3A_244, %broadcast_in_dim3A_245 : vector<16xi1>, vector<16xi32>
      %add3A_247 = arith.addi %get3A_241, %select_n3A_246 : vector<16xi32>
      %swap3A_248 = arith.constant 0 : i32
      %swap3A_249 = arith.index_cast %swap3A_248 : i32 to index
      %swap3A_250 = arith.constant 48 : index
      %swap3A_251 = tpu.vector_load %arg19[%swap3A_249, %swap3A_250] {strides = array<i32>} : memref<1x128xi32, #tpu.memory_space<vmem>>, vector<1x16xi32>,
      %swap3A_252 = vector.shape_cast %swap3A_251 : vector<1x16xi32> to vector<16xi32>
      %swap3A_253 = vector.shape_cast %add3A_247 : vector<16xi32> to vector<1x16xi32>
      tpu.vector_store %arg19[%swap3A_249, %swap3A_250], %swap3A_253 {strides = array<i32>} : memref<1x128xi32, #tpu.memory_space<vmem>>, vector<1x16xi32>,
      %eq3A_254 = arith.constant 4 : i32
      %eq3A_255 = vector.broadcast %eq3A_254 : i32 to vector<16xi32>
      %eq3A_256 = arith.cmpi eq, %get3A_142, %eq3A_255 : vector<16xi32>
      %eq3A_257 = arith.cmpi eq, %iota3A, %get3A_147 : vector<16xi32>
      %and3A_258 = arith.andi %eq3A_256, %eq3A_257 : vector<16xi1>
      %get3A_259 = arith.constant 0 : i32
      %get3A_260 = arith.index_cast %get3A_259 : i32 to index
      %get3A_261 = arith.constant 64 : index
      %get3A_262 = tpu.vector_load %arg19[%get3A_260, %get3A_261] {strides = array<i32>} : memref<1x128xi32, #tpu.memory_space<vmem>>, vector<1x16xi32>,
      %get3A_263 = vector.shape_cast %get3A_262 : vector<1x16xi32> to vector<16xi32>
      %jit3A_264 = arith.constant 1 : i32
      %jit3A_265 = arith.constant 0 : i32
      %broadcast_in_dim3A_266 = vector.broadcast %jit3A_264 : i32 to vector<16xi32>
      %broadcast_in_dim3A_267 = vector.broadcast %jit3A_265 : i32 to vector<16xi32>
      %select_n3A_268 = arith.select %and3A_258, %broadcast_in_dim3A_266, %broadcast_in_dim3A_267 : vector<16xi1>, vector<16xi32>
      %add3A_269 = arith.addi %get3A_263, %select_n3A_268 : vector<16xi32>
      %swap3A_270 = arith.constant 0 : i32
      %swap3A_271 = arith.index_cast %swap3A_270 : i32 to index
      %swap3A_272 = arith.constant 64 : index
      %swap3A_273 = tpu.vector_load %arg19[%swap3A_271, %swap3A_272] {strides = array<i32>} : memref<1x128xi32, #tpu.memory_space<vmem>>, vector<1x16xi32>,
      %swap3A_274 = vector.shape_cast %swap3A_273 : vector<1x16xi32> to vector<16xi32>
      %swap3A_275 = vector.shape_cast %add3A_269 : vector<16xi32> to vector<1x16xi32>
      tpu.vector_store %arg19[%swap3A_271, %swap3A_272], %swap3A_275 {strides = array<i32>} : memref<1x128xi32, #tpu.memory_space<vmem>>, vector<1x16xi32>,
      %eq3A_276 = arith.constant 5 : i32
      %eq3A_277 = vector.broadcast %eq3A_276 : i32 to vector<16xi32>
      %eq3A_278 = arith.cmpi eq, %get3A_142, %eq3A_277 : vector<16xi32>
      %eq3A_279 = arith.cmpi eq, %iota3A, %get3A_147 : vector<16xi32>
      %and3A_280 = arith.andi %eq3A_278, %eq3A_279 : vector<16xi1>
      %get3A_281 = arith.constant 0 : i32
      %get3A_282 = arith.index_cast %get3A_281 : i32 to index
      %get3A_283 = arith.constant 80 : index
      %get3A_284 = tpu.vector_load %arg19[%get3A_282, %get3A_283] {strides = array<i32>} : memref<1x128xi32, #tpu.memory_space<vmem>>, vector<1x16xi32>,
      %get3A_285 = vector.shape_cast %get3A_284 : vector<1x16xi32> to vector<16xi32>
      %jit3A_286 = arith.constant 1 : i32
      %jit3A_287 = arith.constant 0 : i32
      %broadcast_in_dim3A_288 = vector.broadcast %jit3A_286 : i32 to vector<16xi32>
      %broadcast_in_dim3A_289 = vector.broadcast %jit3A_287 : i32 to vector<16xi32>
      %select_n3A_290 = arith.select %and3A_280, %broadcast_in_dim3A_288, %broadcast_in_dim3A_289 : vector<16xi1>, vector<16xi32>
      %add3A_291 = arith.addi %get3A_285, %select_n3A_290 : vector<16xi32>
      %swap3A_292 = arith.constant 0 : i32
      %swap3A_293 = arith.index_cast %swap3A_292 : i32 to index
      %swap3A_294 = arith.constant 80 : index
      %swap3A_295 = tpu.vector_load %arg19[%swap3A_293, %swap3A_294] {strides = array<i32>} : memref<1x128xi32, #tpu.memory_space<vmem>>, vector<1x16xi32>,
      %swap3A_296 = vector.shape_cast %swap3A_295 : vector<1x16xi32> to vector<16xi32>
      %swap3A_297 = vector.shape_cast %add3A_291 : vector<16xi32> to vector<1x16xi32>
      tpu.vector_store %arg19[%swap3A_293, %swap3A_294], %swap3A_297 {strides = array<i32>} : memref<1x128xi32, #tpu.memory_space<vmem>>, vector<1x16xi32>,
      %eq3A_298 = arith.constant 6 : i32
      %eq3A_299 = vector.broadcast %eq3A_298 : i32 to vector<16xi32>
      %eq3A_300 = arith.cmpi eq, %get3A_142, %eq3A_299 : vector<16xi32>
      %eq3A_301 = arith.cmpi eq, %iota3A, %get3A_147 : vector<16xi32>
      %and3A_302 = arith.andi %eq3A_300, %eq3A_301 : vector<16xi1>
      %get3A_303 = arith.constant 0 : i32
      %get3A_304 = arith.index_cast %get3A_303 : i32 to index
      %get3A_305 = arith.constant 96 : index
      %get3A_306 = tpu.vector_load %arg19[%get3A_304, %get3A_305] {strides = array<i32>} : memref<1x128xi32, #tpu.memory_space<vmem>>, vector<1x16xi32>,
      %get3A_307 = vector.shape_cast %get3A_306 : vector<1x16xi32> to vector<16xi32>
      %jit3A_308 = arith.constant 1 : i32
      %jit3A_309 = arith.constant 0 : i32
      %broadcast_in_dim3A_310 = vector.broadcast %jit3A_308 : i32 to vector<16xi32>
      %broadcast_in_dim3A_311 = vector.broadcast %jit3A_309 : i32 to vector<16xi32>
      %select_n3A_312 = arith.select %and3A_302, %broadcast_in_dim3A_310, %broadcast_in_dim3A_311 : vector<16xi1>, vector<16xi32>
      %add3A_313 = arith.addi %get3A_307, %select_n3A_312 : vector<16xi32>
      %swap3A_314 = arith.constant 0 : i32
      %swap3A_315 = arith.index_cast %swap3A_314 : i32 to index
      %swap3A_316 = arith.constant 96 : index
      %swap3A_317 = tpu.vector_load %arg19[%swap3A_315, %swap3A_316] {strides = array<i32>} : memref<1x128xi32, #tpu.memory_space<vmem>>, vector<1x16xi32>,
      %swap3A_318 = vector.shape_cast %swap3A_317 : vector<1x16xi32> to vector<16xi32>
      %swap3A_319 = vector.shape_cast %add3A_313 : vector<16xi32> to vector<1x16xi32>
      tpu.vector_store %arg19[%swap3A_315, %swap3A_316], %swap3A_319 {strides = array<i32>} : memref<1x128xi32, #tpu.memory_space<vmem>>, vector<1x16xi32>,
      %eq3A_320 = arith.constant 7 : i32
      %eq3A_321 = vector.broadcast %eq3A_320 : i32 to vector<16xi32>
      %eq3A_322 = arith.cmpi eq, %get3A_142, %eq3A_321 : vector<16xi32>
      %eq3A_323 = arith.cmpi eq, %iota3A, %get3A_147 : vector<16xi32>
      %and3A_324 = arith.andi %eq3A_322, %eq3A_323 : vector<16xi1>
      %get3A_325 = arith.constant 0 : i32
      %get3A_326 = arith.index_cast %get3A_325 : i32 to index
      %get3A_327 = arith.constant 112 : index
      %get3A_328 = tpu.vector_load %arg19[%get3A_326, %get3A_327] {strides = array<i32>} : memref<1x128xi32, #tpu.memory_space<vmem>>, vector<1x16xi32>,
      %get3A_329 = vector.shape_cast %get3A_328 : vector<1x16xi32> to vector<16xi32>
      %jit3A_330 = arith.constant 1 : i32
      %jit3A_331 = arith.constant 0 : i32
      %broadcast_in_dim3A_332 = vector.broadcast %jit3A_330 : i32 to vector<16xi32>
      %broadcast_in_dim3A_333 = vector.broadcast %jit3A_331 : i32 to vector<16xi32>
      %select_n3A_334 = arith.select %and3A_324, %broadcast_in_dim3A_332, %broadcast_in_dim3A_333 : vector<16xi1>, vector<16xi32>
      %add3A_335 = arith.addi %get3A_329, %select_n3A_334 : vector<16xi32>
      %swap3A_336 = arith.constant 0 : i32
      %swap3A_337 = arith.index_cast %swap3A_336 : i32 to index
      %swap3A_338 = arith.constant 112 : index
      %swap3A_339 = tpu.vector_load %arg19[%swap3A_337, %swap3A_338] {strides = array<i32>} : memref<1x128xi32, #tpu.memory_space<vmem>>, vector<1x16xi32>,
      %swap3A_340 = vector.shape_cast %swap3A_339 : vector<1x16xi32> to vector<16xi32>
      %swap3A_341 = vector.shape_cast %add3A_335 : vector<16xi32> to vector<1x16xi32>
      tpu.vector_store %arg19[%swap3A_337, %swap3A_338], %swap3A_341 {strides = array<i32>} : memref<1x128xi32, #tpu.memory_space<vmem>>, vector<1x16xi32>,
      %dma_start3A_342 = arith.constant 0 : i32
      %dma_start3A_343 = arith.constant 0 : i32
      %dma_start3A_344 = tpu.memref_slice %arg11[%dma_start3A_342, %dma_start3A_343] : memref<782x128xi32, #tpu.memory_space<hbm>> -> memref<782x128xi32, #tpu.memory_space<hbm>>
      tpu.enqueue_indirect_dma source(%arg19 : memref<1x128xi32, #tpu.memory_space<vmem>>) target(%dma_start3A_344 : memref<782x128xi32, #tpu.memory_space<hbm>>) offsets(%arg14 : memref<1xi32, #tpu.memory_space<vmem>>) semaphore(%arg21 : memref<!tpu.dma_semaphore, #tpu.memory_space<semaphore_mem>>)
      %dma_wait3A_345 = arith.constant 0 : i32
      %dma_wait3A_346 = arith.constant 0 : i32
      %dma_wait3A_347 = tpu.memref_slice %arg11[%dma_wait3A_345, %dma_wait3A_346] : memref<782x128xi32, #tpu.memory_space<hbm>> -> memref<782x128xi32, #tpu.memory_space<hbm>>
      tpu.wait_indirect_dma semaphore(%arg21 : memref<!tpu.dma_semaphore, #tpu.memory_space<semaphore_mem>>) src(%arg19 : memref<1x128xi32, #tpu.memory_space<vmem>>) dst(%dma_wait3A_347 : memref<782x128xi32, #tpu.memory_space<hbm>>)
    } else {
    }
    %eq3A_157 = arith.cmpi eq, %add3A, %select_n3A_37 : i32
    %convert_element_type3A_158 = arith.extui %eq3A_157 : i1 to i32
    %cond3A_159 = arith.constant 0 : i32
    %cond3A_160 = arith.cmpi ne, %convert_element_type3A_158, %cond3A_159 : i32
    scf.if %cond3A_160 {
      %dma_start3A_161 = arith.constant 0 : i32
      %dma_start3A_162 = arith.constant 0 : i32
      %dma_start3A_163 = tpu.memref_slice %arg12[%dma_start3A_161, %dma_start3A_162] : memref<100000x256xf32, #tpu.memory_space<hbm>> -> memref<100000x256xf32, #tpu.memory_space<hbm>>
      tpu.enqueue_indirect_dma source(%dma_start3A_163 : memref<100000x256xf32, #tpu.memory_space<hbm>>) target(%arg20 : memref<1x256xf32, #tpu.memory_space<vmem>>) offsets(%arg15 : memref<1xi32, #tpu.memory_space<vmem>>) semaphore(%arg21 : memref<!tpu.dma_semaphore, #tpu.memory_space<semaphore_mem>>)
      %dma_wait3A_164 = arith.constant 0 : i32
      %dma_wait3A_165 = arith.constant 0 : i32
      %dma_wait3A_166 = tpu.memref_slice %arg12[%dma_wait3A_164, %dma_wait3A_165] : memref<100000x256xf32, #tpu.memory_space<hbm>> -> memref<100000x256xf32, #tpu.memory_space<hbm>>
      tpu.wait_indirect_dma semaphore(%arg21 : memref<!tpu.dma_semaphore, #tpu.memory_space<semaphore_mem>>) src(%dma_wait3A_166 : memref<100000x256xf32, #tpu.memory_space<hbm>>) dst(%arg20 : memref<1x256xf32, #tpu.memory_space<vmem>>)
      %get3A_167 = arith.constant 0 : i32
      %get3A_168 = arith.index_cast %get3A_167 : i32 to index
      %get3A_169 = arith.constant 0 : index
      %get3A_170 = tpu.vector_load %arg20[%get3A_168, %get3A_169] {strides = array<i32>} : memref<1x256xf32, #tpu.memory_space<vmem>>, vector<1x16xf32>,
      %get3A_171 = vector.shape_cast %get3A_170 : vector<1x16xf32> to vector<16xf32>
      %slice3A_172 = vector.extract_strided_slice %get3A_132 {offsets = [0], sizes = [1], strides = [1]} : vector<16xf32> to vector<1xf32>
      %squeeze3A_173 = vector.extract %slice3A_172[0] : f32 from vector<1xf32>
      %mul3A_174 = vector.broadcast %squeeze3A_173 : f32 to vector<16xf32>
      %mul3A_175 = arith.mulf %get3A_132, %mul3A_174 : vector<16xf32>
      %add3A_176 = arith.addf %get3A_171, %mul3A_175 : vector<16xf32>
      %swap3A = arith.constant 0 : i32
      %swap3A_177 = arith.index_cast %swap3A : i32 to index
      %swap3A_178 = arith.constant 0 : index
      %swap3A_179 = tpu.vector_load %arg20[%swap3A_177, %swap3A_178] {strides = array<i32>} : memref<1x256xf32, #tpu.memory_space<vmem>>, vector<1x16xf32>,
      %swap3A_180 = vector.shape_cast %swap3A_179 : vector<1x16xf32> to vector<16xf32>
      %swap3A_181 = vector.shape_cast %add3A_176 : vector<16xf32> to vector<1x16xf32>
      tpu.vector_store %arg20[%swap3A_177, %swap3A_178], %swap3A_181 {strides = array<i32>} : memref<1x256xf32, #tpu.memory_space<vmem>>, vector<1x16xf32>,
      %get3A_182 = arith.constant 0 : i32
      %get3A_183 = arith.index_cast %get3A_182 : i32 to index
      %get3A_184 = arith.constant 16 : index
      %get3A_185 = tpu.vector_load %arg20[%get3A_183, %get3A_184] {strides = array<i32>} : memref<1x256xf32, #tpu.memory_space<vmem>>, vector<1x16xf32>,
      %get3A_186 = vector.shape_cast %get3A_185 : vector<1x16xf32> to vector<16xf32>
      %slice3A_187 = vector.extract_strided_slice %get3A_132 {offsets = [1], sizes = [1], strides = [1]} : vector<16xf32> to vector<1xf32>
      %squeeze3A_188 = vector.extract %slice3A_187[0] : f32 from vector<1xf32>
      %mul3A_189 = vector.broadcast %squeeze3A_188 : f32 to vector<16xf32>
      %mul3A_190 = arith.mulf %get3A_132, %mul3A_189 : vector<16xf32>
      %add3A_191 = arith.addf %get3A_186, %mul3A_190 : vector<16xf32>
      %swap3A_192 = arith.constant 0 : i32
      %swap3A_193 = arith.index_cast %swap3A_192 : i32 to index
      %swap3A_194 = arith.constant 16 : index
      %swap3A_195 = tpu.vector_load %arg20[%swap3A_193, %swap3A_194] {strides = array<i32>} : memref<1x256xf32, #tpu.memory_space<vmem>>, vector<1x16xf32>,
      %swap3A_196 = vector.shape_cast %swap3A_195 : vector<1x16xf32> to vector<16xf32>
      %swap3A_197 = vector.shape_cast %add3A_191 : vector<16xf32> to vector<1x16xf32>
      tpu.vector_store %arg20[%swap3A_193, %swap3A_194], %swap3A_197 {strides = array<i32>} : memref<1x256xf32, #tpu.memory_space<vmem>>, vector<1x16xf32>,
      %get3A_198 = arith.constant 0 : i32
      %get3A_199 = arith.index_cast %get3A_198 : i32 to index
      %get3A_200 = arith.constant 32 : index
      %get3A_201 = tpu.vector_load %arg20[%get3A_199, %get3A_200] {strides = array<i32>} : memref<1x256xf32, #tpu.memory_space<vmem>>, vector<1x16xf32>,
      %get3A_202 = vector.shape_cast %get3A_201 : vector<1x16xf32> to vector<16xf32>
      %slice3A_203 = vector.extract_strided_slice %get3A_132 {offsets = [2], sizes = [1], strides = [1]} : vector<16xf32> to vector<1xf32>
      %squeeze3A_204 = vector.extract %slice3A_203[0] : f32 from vector<1xf32>
      %mul3A_205 = vector.broadcast %squeeze3A_204 : f32 to vector<16xf32>
      %mul3A_206 = arith.mulf %get3A_132, %mul3A_205 : vector<16xf32>
      %add3A_207 = arith.addf %get3A_202, %mul3A_206 : vector<16xf32>
      %swap3A_208 = arith.constant 0 : i32
      %swap3A_209 = arith.index_cast %swap3A_208 : i32 to index
      %swap3A_210 = arith.constant 32 : index
      %swap3A_211 = tpu.vector_load %arg20[%swap3A_209, %swap3A_210] {strides = array<i32>} : memref<1x256xf32, #tpu.memory_space<vmem>>, vector<1x16xf32>,
      %swap3A_212 = vector.shape_cast %swap3A_211 : vector<1x16xf32> to vector<16xf32>
      %swap3A_213 = vector.shape_cast %add3A_207 : vector<16xf32> to vector<1x16xf32>
      tpu.vector_store %arg20[%swap3A_209, %swap3A_210], %swap3A_213 {strides = array<i32>} : memref<1x256xf32, #tpu.memory_space<vmem>>, vector<1x16xf32>,
      %get3A_214 = arith.constant 0 : i32
      %get3A_215 = arith.index_cast %get3A_214 : i32 to index
      %get3A_216 = arith.constant 48 : index
      %get3A_217 = tpu.vector_load %arg20[%get3A_215, %get3A_216] {strides = array<i32>} : memref<1x256xf32, #tpu.memory_space<vmem>>, vector<1x16xf32>,
      %get3A_218 = vector.shape_cast %get3A_217 : vector<1x16xf32> to vector<16xf32>
      %slice3A_219 = vector.extract_strided_slice %get3A_132 {offsets = [3], sizes = [1], strides = [1]} : vector<16xf32> to vector<1xf32>
      %squeeze3A_220 = vector.extract %slice3A_219[0] : f32 from vector<1xf32>
      %mul3A_221 = vector.broadcast %squeeze3A_220 : f32 to vector<16xf32>
      %mul3A_222 = arith.mulf %get3A_132, %mul3A_221 : vector<16xf32>
      %add3A_223 = arith.addf %get3A_218, %mul3A_222 : vector<16xf32>
      %swap3A_224 = arith.constant 0 : i32
      %swap3A_225 = arith.index_cast %swap3A_224 : i32 to index
      %swap3A_226 = arith.constant 48 : index
      %swap3A_227 = tpu.vector_load %arg20[%swap3A_225, %swap3A_226] {strides = array<i32>} : memref<1x256xf32, #tpu.memory_space<vmem>>, vector<1x16xf32>,
      %swap3A_228 = vector.shape_cast %swap3A_227 : vector<1x16xf32> to vector<16xf32>
      %swap3A_229 = vector.shape_cast %add3A_223 : vector<16xf32> to vector<1x16xf32>
      tpu.vector_store %arg20[%swap3A_225, %swap3A_226], %swap3A_229 {strides = array<i32>} : memref<1x256xf32, #tpu.memory_space<vmem>>, vector<1x16xf32>,
      %get3A_230 = arith.constant 0 : i32
      %get3A_231 = arith.index_cast %get3A_230 : i32 to index
      %get3A_232 = arith.constant 64 : index
      %get3A_233 = tpu.vector_load %arg20[%get3A_231, %get3A_232] {strides = array<i32>} : memref<1x256xf32, #tpu.memory_space<vmem>>, vector<1x16xf32>,
      %get3A_234 = vector.shape_cast %get3A_233 : vector<1x16xf32> to vector<16xf32>
      %slice3A_235 = vector.extract_strided_slice %get3A_132 {offsets = [4], sizes = [1], strides = [1]} : vector<16xf32> to vector<1xf32>
      %squeeze3A_236 = vector.extract %slice3A_235[0] : f32 from vector<1xf32>
      %mul3A_237 = vector.broadcast %squeeze3A_236 : f32 to vector<16xf32>
      %mul3A_238 = arith.mulf %get3A_132, %mul3A_237 : vector<16xf32>
      %add3A_239 = arith.addf %get3A_234, %mul3A_238 : vector<16xf32>
      %swap3A_240 = arith.constant 0 : i32
      %swap3A_241 = arith.index_cast %swap3A_240 : i32 to index
      %swap3A_242 = arith.constant 64 : index
      %swap3A_243 = tpu.vector_load %arg20[%swap3A_241, %swap3A_242] {strides = array<i32>} : memref<1x256xf32, #tpu.memory_space<vmem>>, vector<1x16xf32>,
      %swap3A_244 = vector.shape_cast %swap3A_243 : vector<1x16xf32> to vector<16xf32>
      %swap3A_245 = vector.shape_cast %add3A_239 : vector<16xf32> to vector<1x16xf32>
      tpu.vector_store %arg20[%swap3A_241, %swap3A_242], %swap3A_245 {strides = array<i32>} : memref<1x256xf32, #tpu.memory_space<vmem>>, vector<1x16xf32>,
      %get3A_246 = arith.constant 0 : i32
      %get3A_247 = arith.index_cast %get3A_246 : i32 to index
      %get3A_248 = arith.constant 80 : index
      %get3A_249 = tpu.vector_load %arg20[%get3A_247, %get3A_248] {strides = array<i32>} : memref<1x256xf32, #tpu.memory_space<vmem>>, vector<1x16xf32>,
      %get3A_250 = vector.shape_cast %get3A_249 : vector<1x16xf32> to vector<16xf32>
      %slice3A_251 = vector.extract_strided_slice %get3A_132 {offsets = [5], sizes = [1], strides = [1]} : vector<16xf32> to vector<1xf32>
      %squeeze3A_252 = vector.extract %slice3A_251[0] : f32 from vector<1xf32>
      %mul3A_253 = vector.broadcast %squeeze3A_252 : f32 to vector<16xf32>
      %mul3A_254 = arith.mulf %get3A_132, %mul3A_253 : vector<16xf32>
      %add3A_255 = arith.addf %get3A_250, %mul3A_254 : vector<16xf32>
      %swap3A_256 = arith.constant 0 : i32
      %swap3A_257 = arith.index_cast %swap3A_256 : i32 to index
      %swap3A_258 = arith.constant 80 : index
      %swap3A_259 = tpu.vector_load %arg20[%swap3A_257, %swap3A_258] {strides = array<i32>} : memref<1x256xf32, #tpu.memory_space<vmem>>, vector<1x16xf32>,
      %swap3A_260 = vector.shape_cast %swap3A_259 : vector<1x16xf32> to vector<16xf32>
      %swap3A_261 = vector.shape_cast %add3A_255 : vector<16xf32> to vector<1x16xf32>
      tpu.vector_store %arg20[%swap3A_257, %swap3A_258], %swap3A_261 {strides = array<i32>} : memref<1x256xf32, #tpu.memory_space<vmem>>, vector<1x16xf32>,
      %get3A_262 = arith.constant 0 : i32
      %get3A_263 = arith.index_cast %get3A_262 : i32 to index
      %get3A_264 = arith.constant 96 : index
      %get3A_265 = tpu.vector_load %arg20[%get3A_263, %get3A_264] {strides = array<i32>} : memref<1x256xf32, #tpu.memory_space<vmem>>, vector<1x16xf32>,
      %get3A_266 = vector.shape_cast %get3A_265 : vector<1x16xf32> to vector<16xf32>
      %slice3A_267 = vector.extract_strided_slice %get3A_132 {offsets = [6], sizes = [1], strides = [1]} : vector<16xf32> to vector<1xf32>
      %squeeze3A_268 = vector.extract %slice3A_267[0] : f32 from vector<1xf32>
      %mul3A_269 = vector.broadcast %squeeze3A_268 : f32 to vector<16xf32>
      %mul3A_270 = arith.mulf %get3A_132, %mul3A_269 : vector<16xf32>
      %add3A_271 = arith.addf %get3A_266, %mul3A_270 : vector<16xf32>
      %swap3A_272 = arith.constant 0 : i32
      %swap3A_273 = arith.index_cast %swap3A_272 : i32 to index
      %swap3A_274 = arith.constant 96 : index
      %swap3A_275 = tpu.vector_load %arg20[%swap3A_273, %swap3A_274] {strides = array<i32>} : memref<1x256xf32, #tpu.memory_space<vmem>>, vector<1x16xf32>,
      %swap3A_276 = vector.shape_cast %swap3A_275 : vector<1x16xf32> to vector<16xf32>
      %swap3A_277 = vector.shape_cast %add3A_271 : vector<16xf32> to vector<1x16xf32>
      tpu.vector_store %arg20[%swap3A_273, %swap3A_274], %swap3A_277 {strides = array<i32>} : memref<1x256xf32, #tpu.memory_space<vmem>>, vector<1x16xf32>,
      %get3A_278 = arith.constant 0 : i32
      %get3A_279 = arith.index_cast %get3A_278 : i32 to index
      %get3A_280 = arith.constant 112 : index
      %get3A_281 = tpu.vector_load %arg20[%get3A_279, %get3A_280] {strides = array<i32>} : memref<1x256xf32, #tpu.memory_space<vmem>>, vector<1x16xf32>,
      %get3A_282 = vector.shape_cast %get3A_281 : vector<1x16xf32> to vector<16xf32>
      %slice3A_283 = vector.extract_strided_slice %get3A_132 {offsets = [7], sizes = [1], strides = [1]} : vector<16xf32> to vector<1xf32>
      %squeeze3A_284 = vector.extract %slice3A_283[0] : f32 from vector<1xf32>
      %mul3A_285 = vector.broadcast %squeeze3A_284 : f32 to vector<16xf32>
      %mul3A_286 = arith.mulf %get3A_132, %mul3A_285 : vector<16xf32>
      %add3A_287 = arith.addf %get3A_282, %mul3A_286 : vector<16xf32>
      %swap3A_288 = arith.constant 0 : i32
      %swap3A_289 = arith.index_cast %swap3A_288 : i32 to index
      %swap3A_290 = arith.constant 112 : index
      %swap3A_291 = tpu.vector_load %arg20[%swap3A_289, %swap3A_290] {strides = array<i32>} : memref<1x256xf32, #tpu.memory_space<vmem>>, vector<1x16xf32>,
      %swap3A_292 = vector.shape_cast %swap3A_291 : vector<1x16xf32> to vector<16xf32>
      %swap3A_293 = vector.shape_cast %add3A_287 : vector<16xf32> to vector<1x16xf32>
      tpu.vector_store %arg20[%swap3A_289, %swap3A_290], %swap3A_293 {strides = array<i32>} : memref<1x256xf32, #tpu.memory_space<vmem>>, vector<1x16xf32>,
      %get3A_294 = arith.constant 0 : i32
      %get3A_295 = arith.index_cast %get3A_294 : i32 to index
      %get3A_296 = arith.constant 128 : index
      %get3A_297 = tpu.vector_load %arg20[%get3A_295, %get3A_296] {strides = array<i32>} : memref<1x256xf32, #tpu.memory_space<vmem>>, vector<1x16xf32>,
      %get3A_298 = vector.shape_cast %get3A_297 : vector<1x16xf32> to vector<16xf32>
      %slice3A_299 = vector.extract_strided_slice %get3A_132 {offsets = [8], sizes = [1], strides = [1]} : vector<16xf32> to vector<1xf32>
      %squeeze3A_300 = vector.extract %slice3A_299[0] : f32 from vector<1xf32>
      %mul3A_301 = vector.broadcast %squeeze3A_300 : f32 to vector<16xf32>
      %mul3A_302 = arith.mulf %get3A_132, %mul3A_301 : vector<16xf32>
      %add3A_303 = arith.addf %get3A_298, %mul3A_302 : vector<16xf32>
      %swap3A_304 = arith.constant 0 : i32
      %swap3A_305 = arith.index_cast %swap3A_304 : i32 to index
      %swap3A_306 = arith.constant 128 : index
      %swap3A_307 = tpu.vector_load %arg20[%swap3A_305, %swap3A_306] {strides = array<i32>} : memref<1x256xf32, #tpu.memory_space<vmem>>, vector<1x16xf32>,
      %swap3A_308 = vector.shape_cast %swap3A_307 : vector<1x16xf32> to vector<16xf32>
      %swap3A_309 = vector.shape_cast %add3A_303 : vector<16xf32> to vector<1x16xf32>
      tpu.vector_store %arg20[%swap3A_305, %swap3A_306], %swap3A_309 {strides = array<i32>} : memref<1x256xf32, #tpu.memory_space<vmem>>, vector<1x16xf32>,
      %get3A_310 = arith.constant 0 : i32
      %get3A_311 = arith.index_cast %get3A_310 : i32 to index
      %get3A_312 = arith.constant 144 : index
      %get3A_313 = tpu.vector_load %arg20[%get3A_311, %get3A_312] {strides = array<i32>} : memref<1x256xf32, #tpu.memory_space<vmem>>, vector<1x16xf32>,
      %get3A_314 = vector.shape_cast %get3A_313 : vector<1x16xf32> to vector<16xf32>
      %slice3A_315 = vector.extract_strided_slice %get3A_132 {offsets = [9], sizes = [1], strides = [1]} : vector<16xf32> to vector<1xf32>
      %squeeze3A_316 = vector.extract %slice3A_315[0] : f32 from vector<1xf32>
      %mul3A_317 = vector.broadcast %squeeze3A_316 : f32 to vector<16xf32>
      %mul3A_318 = arith.mulf %get3A_132, %mul3A_317 : vector<16xf32>
      %add3A_319 = arith.addf %get3A_314, %mul3A_318 : vector<16xf32>
      %swap3A_320 = arith.constant 0 : i32
      %swap3A_321 = arith.index_cast %swap3A_320 : i32 to index
      %swap3A_322 = arith.constant 144 : index
      %swap3A_323 = tpu.vector_load %arg20[%swap3A_321, %swap3A_322] {strides = array<i32>} : memref<1x256xf32, #tpu.memory_space<vmem>>, vector<1x16xf32>,
      %swap3A_324 = vector.shape_cast %swap3A_323 : vector<1x16xf32> to vector<16xf32>
      %swap3A_325 = vector.shape_cast %add3A_319 : vector<16xf32> to vector<1x16xf32>
      tpu.vector_store %arg20[%swap3A_321, %swap3A_322], %swap3A_325 {strides = array<i32>} : memref<1x256xf32, #tpu.memory_space<vmem>>, vector<1x16xf32>,
      %get3A_326 = arith.constant 0 : i32
      %get3A_327 = arith.index_cast %get3A_326 : i32 to index
      %get3A_328 = arith.constant 160 : index
      %get3A_329 = tpu.vector_load %arg20[%get3A_327, %get3A_328] {strides = array<i32>} : memref<1x256xf32, #tpu.memory_space<vmem>>, vector<1x16xf32>,
      %get3A_330 = vector.shape_cast %get3A_329 : vector<1x16xf32> to vector<16xf32>
      %slice3A_331 = vector.extract_strided_slice %get3A_132 {offsets = [10], sizes = [1], strides = [1]} : vector<16xf32> to vector<1xf32>
      %squeeze3A_332 = vector.extract %slice3A_331[0] : f32 from vector<1xf32>
      %mul3A_333 = vector.broadcast %squeeze3A_332 : f32 to vector<16xf32>
      %mul3A_334 = arith.mulf %get3A_132, %mul3A_333 : vector<16xf32>
      %add3A_335 = arith.addf %get3A_330, %mul3A_334 : vector<16xf32>
      %swap3A_336 = arith.constant 0 : i32
      %swap3A_337 = arith.index_cast %swap3A_336 : i32 to index
      %swap3A_338 = arith.constant 160 : index
      %swap3A_339 = tpu.vector_load %arg20[%swap3A_337, %swap3A_338] {strides = array<i32>} : memref<1x256xf32, #tpu.memory_space<vmem>>, vector<1x16xf32>,
      %swap3A_340 = vector.shape_cast %swap3A_339 : vector<1x16xf32> to vector<16xf32>
      %swap3A_341 = vector.shape_cast %add3A_335 : vector<16xf32> to vector<1x16xf32>
      tpu.vector_store %arg20[%swap3A_337, %swap3A_338], %swap3A_341 {strides = array<i32>} : memref<1x256xf32, #tpu.memory_space<vmem>>, vector<1x16xf32>,
      %get3A_342 = arith.constant 0 : i32
      %get3A_343 = arith.index_cast %get3A_342 : i32 to index
      %get3A_344 = arith.constant 176 : index
      %get3A_345 = tpu.vector_load %arg20[%get3A_343, %get3A_344] {strides = array<i32>} : memref<1x256xf32, #tpu.memory_space<vmem>>, vector<1x16xf32>,
      %get3A_346 = vector.shape_cast %get3A_345 : vector<1x16xf32> to vector<16xf32>
      %slice3A_347 = vector.extract_strided_slice %get3A_132 {offsets = [11], sizes = [1], strides = [1]} : vector<16xf32> to vector<1xf32>
      %squeeze3A_348 = vector.extract %slice3A_347[0] : f32 from vector<1xf32>
      %mul3A_349 = vector.broadcast %squeeze3A_348 : f32 to vector<16xf32>
      %mul3A_350 = arith.mulf %get3A_132, %mul3A_349 : vector<16xf32>
      %add3A_351 = arith.addf %get3A_346, %mul3A_350 : vector<16xf32>
      %swap3A_352 = arith.constant 0 : i32
      %swap3A_353 = arith.index_cast %swap3A_352 : i32 to index
      %swap3A_354 = arith.constant 176 : index
      %swap3A_355 = tpu.vector_load %arg20[%swap3A_353, %swap3A_354] {strides = array<i32>} : memref<1x256xf32, #tpu.memory_space<vmem>>, vector<1x16xf32>,
      %swap3A_356 = vector.shape_cast %swap3A_355 : vector<1x16xf32> to vector<16xf32>
      %swap3A_357 = vector.shape_cast %add3A_351 : vector<16xf32> to vector<1x16xf32>
      tpu.vector_store %arg20[%swap3A_353, %swap3A_354], %swap3A_357 {strides = array<i32>} : memref<1x256xf32, #tpu.memory_space<vmem>>, vector<1x16xf32>,
      %get3A_358 = arith.constant 0 : i32
      %get3A_359 = arith.index_cast %get3A_358 : i32 to index
      %get3A_360 = arith.constant 192 : index
      %get3A_361 = tpu.vector_load %arg20[%get3A_359, %get3A_360] {strides = array<i32>} : memref<1x256xf32, #tpu.memory_space<vmem>>, vector<1x16xf32>,
      %get3A_362 = vector.shape_cast %get3A_361 : vector<1x16xf32> to vector<16xf32>
      %slice3A_363 = vector.extract_strided_slice %get3A_132 {offsets = [12], sizes = [1], strides = [1]} : vector<16xf32> to vector<1xf32>
      %squeeze3A_364 = vector.extract %slice3A_363[0] : f32 from vector<1xf32>
      %mul3A_365 = vector.broadcast %squeeze3A_364 : f32 to vector<16xf32>
      %mul3A_366 = arith.mulf %get3A_132, %mul3A_365 : vector<16xf32>
      %add3A_367 = arith.addf %get3A_362, %mul3A_366 : vector<16xf32>
      %swap3A_368 = arith.constant 0 : i32
      %swap3A_369 = arith.index_cast %swap3A_368 : i32 to index
      %swap3A_370 = arith.constant 192 : index
      %swap3A_371 = tpu.vector_load %arg20[%swap3A_369, %swap3A_370] {strides = array<i32>} : memref<1x256xf32, #tpu.memory_space<vmem>>, vector<1x16xf32>,
      %swap3A_372 = vector.shape_cast %swap3A_371 : vector<1x16xf32> to vector<16xf32>
      %swap3A_373 = vector.shape_cast %add3A_367 : vector<16xf32> to vector<1x16xf32>
      tpu.vector_store %arg20[%swap3A_369, %swap3A_370], %swap3A_373 {strides = array<i32>} : memref<1x256xf32, #tpu.memory_space<vmem>>, vector<1x16xf32>,
      %get3A_374 = arith.constant 0 : i32
      %get3A_375 = arith.index_cast %get3A_374 : i32 to index
      %get3A_376 = arith.constant 208 : index
      %get3A_377 = tpu.vector_load %arg20[%get3A_375, %get3A_376] {strides = array<i32>} : memref<1x256xf32, #tpu.memory_space<vmem>>, vector<1x16xf32>,
      %get3A_378 = vector.shape_cast %get3A_377 : vector<1x16xf32> to vector<16xf32>
      %slice3A_379 = vector.extract_strided_slice %get3A_132 {offsets = [13], sizes = [1], strides = [1]} : vector<16xf32> to vector<1xf32>
      %squeeze3A_380 = vector.extract %slice3A_379[0] : f32 from vector<1xf32>
      %mul3A_381 = vector.broadcast %squeeze3A_380 : f32 to vector<16xf32>
      %mul3A_382 = arith.mulf %get3A_132, %mul3A_381 : vector<16xf32>
      %add3A_383 = arith.addf %get3A_378, %mul3A_382 : vector<16xf32>
      %swap3A_384 = arith.constant 0 : i32
      %swap3A_385 = arith.index_cast %swap3A_384 : i32 to index
      %swap3A_386 = arith.constant 208 : index
      %swap3A_387 = tpu.vector_load %arg20[%swap3A_385, %swap3A_386] {strides = array<i32>} : memref<1x256xf32, #tpu.memory_space<vmem>>, vector<1x16xf32>,
      %swap3A_388 = vector.shape_cast %swap3A_387 : vector<1x16xf32> to vector<16xf32>
      %swap3A_389 = vector.shape_cast %add3A_383 : vector<16xf32> to vector<1x16xf32>
      tpu.vector_store %arg20[%swap3A_385, %swap3A_386], %swap3A_389 {strides = array<i32>} : memref<1x256xf32, #tpu.memory_space<vmem>>, vector<1x16xf32>,
      %get3A_390 = arith.constant 0 : i32
      %get3A_391 = arith.index_cast %get3A_390 : i32 to index
      %get3A_392 = arith.constant 224 : index
      %get3A_393 = tpu.vector_load %arg20[%get3A_391, %get3A_392] {strides = array<i32>} : memref<1x256xf32, #tpu.memory_space<vmem>>, vector<1x16xf32>,
      %get3A_394 = vector.shape_cast %get3A_393 : vector<1x16xf32> to vector<16xf32>
      %slice3A_395 = vector.extract_strided_slice %get3A_132 {offsets = [14], sizes = [1], strides = [1]} : vector<16xf32> to vector<1xf32>
      %squeeze3A_396 = vector.extract %slice3A_395[0] : f32 from vector<1xf32>
      %mul3A_397 = vector.broadcast %squeeze3A_396 : f32 to vector<16xf32>
      %mul3A_398 = arith.mulf %get3A_132, %mul3A_397 : vector<16xf32>
      %add3A_399 = arith.addf %get3A_394, %mul3A_398 : vector<16xf32>
      %swap3A_400 = arith.constant 0 : i32
      %swap3A_401 = arith.index_cast %swap3A_400 : i32 to index
      %swap3A_402 = arith.constant 224 : index
      %swap3A_403 = tpu.vector_load %arg20[%swap3A_401, %swap3A_402] {strides = array<i32>} : memref<1x256xf32, #tpu.memory_space<vmem>>, vector<1x16xf32>,
      %swap3A_404 = vector.shape_cast %swap3A_403 : vector<1x16xf32> to vector<16xf32>
      %swap3A_405 = vector.shape_cast %add3A_399 : vector<16xf32> to vector<1x16xf32>
      tpu.vector_store %arg20[%swap3A_401, %swap3A_402], %swap3A_405 {strides = array<i32>} : memref<1x256xf32, #tpu.memory_space<vmem>>, vector<1x16xf32>,
      %get3A_406 = arith.constant 0 : i32
      %get3A_407 = arith.index_cast %get3A_406 : i32 to index
      %get3A_408 = arith.constant 240 : index
      %get3A_409 = tpu.vector_load %arg20[%get3A_407, %get3A_408] {strides = array<i32>} : memref<1x256xf32, #tpu.memory_space<vmem>>, vector<1x16xf32>,
      %get3A_410 = vector.shape_cast %get3A_409 : vector<1x16xf32> to vector<16xf32>
      %slice3A_411 = vector.extract_strided_slice %get3A_132 {offsets = [15], sizes = [1], strides = [1]} : vector<16xf32> to vector<1xf32>
      %squeeze3A_412 = vector.extract %slice3A_411[0] : f32 from vector<1xf32>
      %mul3A_413 = vector.broadcast %squeeze3A_412 : f32 to vector<16xf32>
      %mul3A_414 = arith.mulf %get3A_132, %mul3A_413 : vector<16xf32>
      %add3A_415 = arith.addf %get3A_410, %mul3A_414 : vector<16xf32>
      %swap3A_416 = arith.constant 0 : i32
      %swap3A_417 = arith.index_cast %swap3A_416 : i32 to index
      %swap3A_418 = arith.constant 240 : index
      %swap3A_419 = tpu.vector_load %arg20[%swap3A_417, %swap3A_418] {strides = array<i32>} : memref<1x256xf32, #tpu.memory_space<vmem>>, vector<1x16xf32>,
      %swap3A_420 = vector.shape_cast %swap3A_419 : vector<1x16xf32> to vector<16xf32>
      %swap3A_421 = vector.shape_cast %add3A_415 : vector<16xf32> to vector<1x16xf32>
      tpu.vector_store %arg20[%swap3A_417, %swap3A_418], %swap3A_421 {strides = array<i32>} : memref<1x256xf32, #tpu.memory_space<vmem>>, vector<1x16xf32>,
      %dma_start3A_422 = arith.constant 0 : i32
      %dma_start3A_423 = arith.constant 0 : i32
      %dma_start3A_424 = tpu.memref_slice %arg12[%dma_start3A_422, %dma_start3A_423] : memref<100000x256xf32, #tpu.memory_space<hbm>> -> memref<100000x256xf32, #tpu.memory_space<hbm>>
      tpu.enqueue_indirect_dma source(%arg20 : memref<1x256xf32, #tpu.memory_space<vmem>>) target(%dma_start3A_424 : memref<100000x256xf32, #tpu.memory_space<hbm>>) offsets(%arg15 : memref<1xi32, #tpu.memory_space<vmem>>) semaphore(%arg21 : memref<!tpu.dma_semaphore, #tpu.memory_space<semaphore_mem>>)
      %dma_wait3A_425 = arith.constant 0 : i32
      %dma_wait3A_426 = arith.constant 0 : i32
      %dma_wait3A_427 = tpu.memref_slice %arg12[%dma_wait3A_425, %dma_wait3A_426] : memref<100000x256xf32, #tpu.memory_space<hbm>> -> memref<100000x256xf32, #tpu.memory_space<hbm>>
      tpu.wait_indirect_dma semaphore(%arg21 : memref<!tpu.dma_semaphore, #tpu.memory_space<semaphore_mem>>) src(%arg20 : memref<1x256xf32, #tpu.memory_space<vmem>>) dst(%dma_wait3A_427 : memref<100000x256xf32, #tpu.memory_space<hbm>>)
    } else {
    }
    return
  }
}

</mosaic_0001>

<sc_bundles>
// kernel: kernel.3.cloned.1.call-start
scs
__scs_entry_jumppad:
0x0: {  	(pc) =	sbr.rel $0x88, $3  }
0x1: {  	(tag) =	ssettag $0x0;
	lr =	simm.s32 $0x1  }
0x2: {  	[smem:$0x3F9C] =	sst lr;
	_ =	strace $0xD0000000  }
0x3: {  	_ = 	snop  }
0x4: {  	_ = 	snop  }
0x5: {  	_ = 	snop  }
0x6: {  	_ = 	snop  }
0x7: {  	_ = 	snop  }
__scs_overlays_trampoline_lowered:
0x8: {  	[smem:$0x3FAB] =	sst s0  }
0x9: {  	[smem:$0x3FAC] =	sst s1  }
0xa: {  	[smem:$0x3FAD] =	sst s2  }
0xb: {  	[smem:$0x3FAE] =	sst s3  }
0xc: {  	[smem:$0x3FAF] =	sst s4  }
0xd: {  	[smem:$0x3FB0] =	sst s5  }
0xe: {  	[smem:$0x3FB1] =	sst s6  }
0xf: {  	[smem:$0x3FB2] =	sst s7  }
0x10: {  	[smem:$0x3FB3] =	sst s8  }
0x11: {  	[smem:$0x3FB4] =	sst s9;
	s0 =	simm.s32 @!p0 $0x0  }
0x12: {  	s1 =	sld [smem:$0x3F9A];
	s0 =	simm.s32 @p0 $0x1  }
0x13: {  	[smem:$0x3FB5] =	sst s0;
	s0 =	simm.s32 @!p1 $0x0  }
0x14: {  	s2 =	sld [smem:$0x3F99];
	s0 =	simm.s32 @p1 $0x1  }
0x15: {  	[smem:$0x3FB6] =	sst s0;
	s0 =	simm.s32 @!p2 $0x0  }
0x16: {  	s3 =	sld [smem:$0x3FDB];
	s0 =	simm.s32 @p2 $0x1  }
0x17: {  	s4 =	simm.s32 $0x1BF5;
	[smem:$0x3FB8] =	sst s0  }
0x18: {  	s0 =	sld [smem:$0x3F9B];
	_ =	swait.ge [sflag:s4], $0x0  }
0x19: {  	s7 =	sld [smem:$0x3F9C]  }
0x1a: {  	s8 =	sadd.s32 $0xFFFFE003, lr  }
0x1b: {  	s9 =	sadd.s32 $0xFFFFFEF7, lr;
	s5 =	simm.s32 $0xFFFFFFFF;
	p2 =	slt.u32 s8, $0xFFFFF086  }
0x1c: {  	p1 =	slt.u32 s9, $0xF7A;
	s5 =	simm.s32 @!p2 $0x0  }
0x1d: {  	s5 =	simm.s32 @p1 $0x1;
	p0 =	seq.s32 s7, s2  }
0x1e: {  	s7 =	smul.u32 @!p0 $0xF7A, s2;
	p2 =	seq.s32 @!p0 s5, $0x0  }
0x1f: {  	s9 =	smul.u32 $0xF7A, s1;
	s8 =	simm.s32 @!p0 $0x1BF5;
	p2 =	por !p2, p0  }
0x20: {  	[sflag:s8] =	ssyncset.s32 @!p0 $0xFFFFF086;
	s6 =	sadd.s32 @!p0 s3, s7;
	s7 =	simm.s32 @!p0 $0x108  }
0x21: {  	s3 =	sadd.s32 s3, s9;
	s6 =	sadd.s32 @!p0 $0x88, s6;
	s7 =	simm.s32 @p2 $0x1082  }
0x22: {  	[simem:s7], [sflag:s8] =	dma.local @!p0 [hbm:s6], $0xF7A  }
0x23: {  	s9 =	sor.u32 $0xD0000000, s2;
	s6 =	simm.s32 $0x108;
	_ =	swait.ge @!p0 [sflag:s8], $0x0  }
0x24: {  	s3 =	sadd.s32 $0x88, s3;
	s6 =	simm.s32 @!p1 $0x1082;
	[sflag:s4] =	ssyncset.s32 $0xFFFFF086  }
0x25: {  	[simem:s6], [sflag:s4] =	dma.local [hbm:s3], $0xF7A  }
0x26: {  	[smem:$0x3F9C] =	sst s1;
	(tag) =	ssettag s2;
	_ =	strace s9  }
0x27: {  	s1 =	sld [smem:$0x3FAC]  }
0x28: {  	s2 =	sld [smem:$0x3FAD]  }
0x29: {  	s4 =	sld [smem:$0x3FAF]  }
0x2a: {  	p0 =	seq.s32 s5, $0x0;
	s5 =	sld [smem:$0x3FB0]  }
0x2b: {  	s6 =	sld [smem:$0x3FB1]  }
0x2c: {  	s7 =	sld [smem:$0x3FB2]  }
0x2d: {  	s3 =	simm.s32 $0x108;
	s8 =	sld [smem:$0x3FB3]  }
0x2e: {  	s3 =	simm.s32 @!p0 $0x1082;
	s9 =	sld [smem:$0x3FB4]  }
0x2f: {  	lr =	sadd.s32 s0, s3;
	s0 =	sld [smem:$0x3FAB]  }
0x30: {  	s3 =	sld [smem:$0x3FAE]  }
0x31: {  	[smem:$0x3FB7] =	sst s10  }
0x32: {  	s10 =	sld [smem:$0x3FB5];
	_ =	sdelay $0x3  }
0x33: {  	p0 =	seq.s32 s10, $0x1;
	s10 =	sld [smem:$0x3FB7];
	_ =	sdelay $0x3  }
0x34: {  	[smem:$0x3FB7] =	sst s10  }
0x35: {  	s10 =	sld [smem:$0x3FB6];
	_ =	sdelay $0x3  }
0x36: {  	p1 =	seq.s32 s10, $0x1;
	s10 =	sld [smem:$0x3FB7];
	_ =	sdelay $0x3  }
0x37: {  	[smem:$0x3FB7] =	sst s10  }
0x38: {  	s10 =	sld [smem:$0x3FB8]  }
0x39: {  	_ = 	snop;
	(pc) =	sbr.ind lr, $3  }
0x3a: {  	_ = 	snop  }
0x3b: {  	_ = 	snop  }
0x3c: {  	p2 =	seq.s32 s10, $0x1;
	s10 =	sld [smem:$0x3FB7]  }
0x3d: {  	_ =	shalt  }
0x3e: {  	_ =	shalt  }
0x3f: {  	_ =	shalt  }
0x40: {  	_ =	shalt  }
0x41: {  	_ =	shalt  }
0x42: {  	_ =	shalt  }
0x43: {  	_ =	shalt  }
0x44: {  	_ =	shalt  }
0x45: {  	_ =	shalt  }
0x46: {  	_ =	shalt  }
0x47: {  	_ =	shalt  }
0x48: {  	_ =	shalt  }
0x49: {  	_ =	shalt  }
0x4a: {  	_ =	shalt  }
0x4b: {  	_ =	shalt  }
0x4c: {  	_ =	shalt  }
0x4d: {  	_ =	shalt  }
0x4e: {  	_ =	shalt  }
0x4f: {  	_ =	shalt  }
0x50: {  	_ =	shalt  }
0x51: {  	_ =	shalt  }
0x52: {  	_ =	shalt  }
0x53: {  	_ =	shalt  }
0x54: {  	_ =	shalt  }
0x55: {  	_ =	shalt  }
0x56: {  	_ =	shalt  }
0x57: {  	_ =	shalt  }
0x58: {  	_ =	shalt  }
0x59: {  	_ =	shalt  }
0x5a: {  	_ =	shalt  }
0x5b: {  	_ =	shalt  }
0x5c: {  	_ =	shalt  }
0x5d: {  	_ =	shalt  }
0x5e: {  	_ =	shalt  }
0x5f: {  	_ =	shalt  }
0x60: {  	_ =	shalt  }
0x61: {  	_ =	shalt  }
0x62: {  	_ =	shalt  }
0x63: {  	_ =	shalt  }
0x64: {  	_ =	shalt  }
0x65: {  	_ =	shalt  }
0x66: {  	_ =	shalt  }
0x67: {  	_ =	shalt  }
0x68: {  	_ =	shalt  }
0x69: {  	_ =	shalt  }
0x6a: {  	_ =	shalt  }
0x6b: {  	_ =	shalt  }
0x6c: {  	_ =	shalt  }
0x6d: {  	_ =	shalt  }
0x6e: {  	_ =	shalt  }
0x6f: {  	_ =	shalt  }
0x70: {  	_ =	shalt  }
0x71: {  	_ =	shalt  }
0x72: {  	_ =	shalt  }
0x73: {  	_ =	shalt  }
0x74: {  	_ =	shalt  }
0x75: {  	_ =	shalt  }
0x76: {  	_ =	shalt  }
0x77: {  	_ =	shalt  }
0x78: {  	_ =	shalt  }
0x79: {  	_ =	shalt  }
0x7a: {  	_ =	shalt  }
0x7b: {  	_ =	shalt  }
0x7c: {  	_ =	shalt  }
0x7d: {  	_ =	shalt  }
0x7e: {  	_ =	shalt  }
0x7f: {  	_ =	shalt  }
0x80: {  	_ =	shalt  }
0x81: {  	_ =	shalt  }
0x82: {  	_ =	shalt  }
0x83: {  	_ =	shalt  }
0x84: {  	_ =	shalt  }
0x85: {  	_ =	shalt  }
0x86: {  	_ =	shalt  }
0x87: {  	_ =	shalt  }
.Lfunc_end0:
.L_simem_size_0:
called_computation_lowered:
.L_overlay_start_0:
0x88: {  	s2 =	sld [smem:$0x3FD9]  }
0x89: {  	s3 =	sld [smem:$0x3FFE];
	_ =	sdelay $0x1  }
0x8a: {  	s1 =	srdreg.scid  }
0x8b: {  	s0 =	sand.u32 $0x1, s1  }
0x8c: {  	s14 =	sshll.u32 s0, $0xA;
	s2 =	sadd.s32 s3, s2  }
0x8d: {  	s2 =	sadd.s32 s2, s14  }
0x8e: {  	[smem:$0x3FC3] =	sst s2  }
0x8f: {  	_ = 	snop  }
0x90: {  	s2 =	sld [smem:$0x3FD0];
	_ =	sdelay $0x1  }
0x91: {  	s15 =	sld [smem:$0x3FC9]  }
0x92: {  	s5 =	simm.s32 $0xA;
	s6 =	simm.s32 $0x10;
	s4 =	sld [smem:$0x3FC8]  }
0x93: {  	[smem:s6], [sflag:s5] =	dma.local [hbm:s2], $0x1  }
0x94: {  	_ =	swait.eq [sflag:s5], $0x1  }
0x95: {  	s16 =	sld [smem:$0x10];
	[sflag:s5] =	ssyncset.done $0x0  }
0x96: {  	s17 =	sld [smem:$0x11];
	[sflag:s5] =	ssyncadd.s32 $0xFFFFFFFF  }
0x97: {  	s18 =	sld [smem:$0x12];
	(tm) =	ssettm $0x1  }
0x98: {  	s7 =	sld [smem:$0x3FFB];
	_ =	sdelay $0x3  }
0x99: {  	_ =	strace s7  }
0x9a: {  	s7 =	sld [smem:$0x3FFC];
	_ =	sdelay $0x3  }
0x9b: {  	_ =	strace s7  }
0x9c: {  	s7 =	sld [smem:$0x3FFD];
	_ =	sdelay $0x3  }
0x9d: {  	_ =	strace s7  }
0x9e: {  	_ =	strace $0x8FFFFFFF  }
0x9f: {  	s19 =	sld [smem:$0x3FDB];
	_ =	sdelay $0x1  }
0xa0: {  	s8 =	simm.s32 $_scs_section_size  }
0xa1: {  	s9 =	simm.s32 $_size__tile_overlayer_lowered;
	s10 =	simm.s32 $_tile_overlayer_lowered  }
0xa2: {  	s22 =	simm.s32 $0x1BFF;
	s21 =	sshll.u32 s10, $0x1;
	s7 =	sadd.s32 s8, s19  }
0xa3: {  	s11 =	simm.s32 $0x0;
	s20 =	sshll.u32 s9, $0x1;
	s9 =	sadd.s32 s21, s7  }
0xa4: {  	[timem:s11], [sflag:s22] =	dma.local [hbm:s9], s20  }
0xa5: {  	_ =	swait.ge [sflag:s22], s20  }
0xa6: {  	s8 =	ssub.s32 $0x0, s20;
	[sflag:s22] =	ssyncset.done $0x0  }
0xa7: {  	[sflag:s22] =	ssyncadd.s32 s8;
	_ =	sdelay $0x1  }
0xa8: {  	s23 =	simm.s32 $0x1B8B  }
0xa9: {  	_ =	swait.ge [sflag:s23], $0x1  }
0xaa: {  	[sflag:s23] =	ssyncset.done $0x0  }
0xab: {  	s25 =	simm.s32 $0x1B8E;
	s24 =	sld [smem:$0x3FFE];
	[sflag:s23] =	ssyncadd.s32 $0xFFFFFFFF  }
0xac: {  	s26 =	simm.s32 $execute0_lowered;
	[smem:$0x3FD2] =	sst s25  }
0xad: {  	s9 =	sshll.u32 s26, $0x1;
	_ =	strace $0x80000046;
	[dreg:$0x1] =	wrdreg $0xFFFFFFFF  }
0xae: {  	s28 =	simm.s32 $_size_execute0_lowered;
	s7 =	sadd.s32 s7, s9;
	[dreg:$0x0] =	wrdreg $0x0  }
0xaf: {  	s9 =	sshll.u32 s28, $0x1;
	[dreg:$0x2] =	wrdreg s7  }
0xb0: {  	[dreg:$0x3] =	wrdreg s9  }
0xb1: {  	[dreg:$0x4] =	wrdreg $0xC0  }
0xb2: {  	_ =	task [dreg:s11], $0x5FFFF  }
0xb3: {  	[dreg:$0x1] =	wrdreg $0xFFFFFFFF  }
0xb4: {  	[dreg:$0x0] =	wrdreg $0x60  }
0xb5: {  	[dreg:$0x2] =	wrdreg s24  }
0xb6: {  	[dreg:$0x3] =	wrdreg s15  }
0xb7: {  	[dreg:$0x4] =	wrdreg s4  }
0xb8: {  	[dreg:$0x5] =	wrdreg s16  }
0xb9: {  	[dreg:$0x6] =	wrdreg s18  }
0xba: {  	[dreg:$0x7] =	wrdreg s17  }
0xbb: {  	[dreg:$0x8] =	wrdreg $0x9  }
0xbc: {  	_ =	task.clear_ibuf [dreg:s11], $0x9FFFF;
	_ =	strace $0x90000046  }
0xbd: {  	s29 =	simm.s32 $0x9;
	_ =	strace $0x80000048  }
0xbe: {  	_ =	swait.ge [sflag:s29], $0x1  }
0xbf: {  	[sflag:s29] =	ssyncadd.s32 $0xFFFFFFFF  }
0xc0: {  	_ =	strace $0x90000048  }
0xc1: {  	_ =	sfence  }
0xc2: {  	s30 =	sld [smem:$0x0];
	_ =	sdelay $0x2  }
0xc3: {  	s31 =	sshll.u32 s1, $0xD;
	s1 =	sshrl.u32 s1, $0x2  }
0xc4: {  	s3 =	sand.u32 $0x4000, s31;
	s1 =	sadd.s32 s1, s30  }
0xc5: {  	s0 =	sor.u32 s3, s0;
	s1 =	sshll.u32 s1, $0x11  }
0xc6: {  	s0 =	sor.u32 s1, s0  }
0xc7: {  	s0 =	sadd.s32 $0x8F2B, s0  }
0xc8: {  	[sflag:s0] =	ssyncadd.remote.s32 $0x1  }
0xc9: {  	_ =	sfence.sel $0xFFFF  }
0xca: {  	[dreg:$0x0] =	wrdreg $0xFFFFFFFF;
	(pc) =	sbr.abs _section_cstart, $3  }
0xcb: {  	[dreg:$0x1] =	wrdreg $0xFFFFFFFF  }
0xcc: {  	_ =	task.clear_ibuf [dreg:s11], $0x2FFFF;
	_ =	strace $0x9FFFFFFF  }
0xcd: {  	(tm) =	ssettm $0x7FFFFFFF  }
tec
execute0_lowered:
.L_overlay_start_1:
0x0: {  	(tag) =	ssettag $0x1  }
0x1: {  	s0 =	rddreg [dreg:$0x0]  }
0x2: {  	s1 =	rddreg [dreg:$0x3]  }
0x3: {  	s2 =	rddreg [dreg:$0x4]  }
0x4: {  	s4 =	rddreg [dreg:$0x5];
	s5 =	simm.s32 $0x0  }
0x5: {  	s3 =	srdreg.scid;
	s6 =	stileid.u32;
	s25 =	simm.s32 $0x2  }
0x6: {  	s31 =	simm.s32 $0x1;
	[smem:$0x7FF] =	sst s5;
	s3 =	sand.u32 $0x1, s3  }
0x7: {  	s6 =	sshll.u32 s6, $0x1;
	s7 =	sadd.s32 $0x3C00, s0;
	s8 =	sadd.s32 $0x3A00, s0  }
0x8: {  	s9 =	sadd.s32 $0x3E00, s0;
	s10 =	sadd.s32 $0x4000, s0;
	s11 =	sadd.s32 $0x34E00, s0  }
0x9: {  	s18 =	sadd.s32 $0x30C000, s2;
	s19 =	sadd.s32 $0x340E00, s0;
	s6 =	sor.u32 s3, s6  }
0xa: {  	s20 =	sadd.s32 $0x30000, s1;
	s21 =	sadd.s32 $0x34000, s0;
	s17 =	smul.u32 $0x180, s6  }
0xb: {  	s22 =	sadd.s32 $0x3800, s0;
	s23 =	sadd.s32 $0x3000, s4;
	s13 =	smul.u32 $0x18600, s6  }
.Ltmp0:
0xc: {  	_ =	strace $0x80000047;
	s3 =	ssub.s32 $0x2, s3;
	(pc) =	sbr.rel .LBB2_1-.Ltmp0, $4  }
0xd: {  	s12 =	sshrl.u32 s3, $0x1;
	s15 =	smul.u32 $0x1800, s6;
	p0 =	sne.s32 s6, $0x0  }
0xe: {  	s3 =	ssub.s32 s3, s12;
	s16 =	sadd.s32 s17, s0;
	s12 =	sadd.s32 s2, s13  }
0xf: {  	v1 =	vlaneseq.u32;
	s13 =	sadd.s32 s11, s13;
	s14 =	sadd.s32 s1, s15;
	s15 =	sadd.s32 s10, s15  }
0x10: {  	v0 =	vimm.s32 $0x0;
	vm0 =	vmmov $0x3;
	v1 =	vmul.u32 $0x8, v1;
	s17 =	sadd.s32 s4, s17;
	s24 =	smax.u32 s3, $0x1;
	s16 =	sadd.s32 $0x800, s16  }
.LBB2_3:
0x11: {  	s24 =	sadd.s32 $0xFFFFFFFF, s24  }
0x12: {  	p1 =	sne.s32 s24, $0x0  }
.Ltmp1:
0x13: {  	_ = 	snop;
	(pc) =	sbr.rel @!p1 .LBB2_4-.Ltmp1, $1  }
0x14: {  	_ =	sdelay $0x3  }
.LBB2_1:
0x15: {  	[tilespmem:s5], [sflag:$0x2] =	stream.linear.gather [hbm4b:s7+s5], $0x80, $0x38;
	[tilespmem:$0x800] =	vst v63  }
0x16: {  	_ =	swait.ge [sflag:s25], $0x80  }
0x17: {  	[sflag:s25] =	ssyncset.done $0x0  }
0x18: {  	s0 =	simm.s32 $0x80;
	[sflag:s25] =	ssyncadd.s32 $0xFFFFFF80  }
0x19: {  	[tilespmem:s0], [sflag:$0x2] =	stream.linear.gather [hbm4b:s8+s5], $0x80, $0x38;
	[tilespmem:$0x800] =	vst v63  }
0x1a: {  	_ =	swait.ge [sflag:s25], $0x80  }
0x1b: {  	[sflag:s25] =	ssyncset.done $0x0  }
0x1c: {  	[sflag:s25] =	ssyncadd.s32 $0xFFFFFF80  }
0x1d: {  	s1 =	simm.s32 $0x100;
	s3 =	rddreg [dreg:$0x1]  }
0x1e: {  	[tilespmem:s1], [sflag:$0x2] =	stream.linear.gather [hbm4b:s3+s5], $0x80, $0x38;
	[tilespmem:$0x800] =	vst v63  }
0x1f: {  	_ =	swait.ge [sflag:s25], $0x80  }
0x20: {  	[sflag:s25] =	ssyncset.done $0x0  }
0x21: {  	s26 =	simm.s32 $0x180;
	[sflag:s25] =	ssyncadd.s32 $0xFFFFFF80  }
0x22: {  	[tilespmem:s26], [sflag:$0x2] =	stream.linear.gather [hbm4b:s9+s5], $0x300, $0x38;
	[tilespmem:$0x800] =	vst v63  }
0x23: {  	_ =	swait.ge [sflag:s25], $0x300  }
0x24: {  	[sflag:s25] =	ssyncset.done $0x0  }
0x25: {  	[sflag:s25] =	ssyncadd.s32 $0xFFFFFD00  }
0x26: {  	s29 =	simm.s32 $0x580;
	s28 =	rddreg [dreg:$0x2]  }
0x27: {  	[tilespmem:s29], [sflag:$0x2] =	stream.linear.gather [hbm4b:s28+s5], $0x80, $0x38;
	[tilespmem:$0x800] =	vst v63  }
0x28: {  	_ =	swait.ge [sflag:s25], $0x80  }
0x29: {  	[sflag:s25] =	ssyncset.done $0x0  }
0x2a: {  	[sflag:s25] =	ssyncadd.s32 $0xFFFFFF80  }
0x2b: {  	v2 =	vld [tilespmem:$0x300]  }
0x2c: {  	v3 =	vld [tilespmem:$0x380]  }
0x2d: {  	v4 =	vld [tilespmem:$0x400];
	_ =	sdelay $0x2  }
0x2e: {  	(v2sf) =	vpush v2, $0x0  }
0x2f: {  	(v2sf) =	vpush v3, $0x0  }
0x30: {  	(v2sf) =	vpush v4, $0x0;
	_ =	sdelay $0xc  }
0x31: {  	s30 =	stileid.u32;
	s1 =	spop (v2sf)  }
0x32: {  	s26 =	sshll.u32 s30, $0x6;
	s3 =	spop (v2sf)  }
0x33: {  	s26 =	sor.u32 $0x1C01, s26;
	s2 =	spop (v2sf)  }
0x34: {  	[hbm:s13], [sflag:s26] =	dma.local [hbm:s12], $0x18600  }
0x35: {  	[hbm:s15], [sflag:s26] =	dma.local [hbm:s14], $0x1800  }
0x36: {  	[hbm:s17], [sflag:s26] =	dma.local [hbm:s16], $0x180  }
0x37: {  	_ =	swait.ge [sflag:s31], $0x18600  }
0x38: {  	[sflag:s31] =	ssyncset.done $0x0  }
0x39: {  	[sflag:s31] =	ssyncadd.s32 $0xFFFE7A00  }
0x3a: {  	_ =	swait.ge [sflag:s31], $0x1800  }
0x3b: {  	[sflag:s31] =	ssyncset.done $0x0  }
0x3c: {  	[sflag:s31] =	ssyncadd.s32 $0xFFFFE800  }
0x3d: {  	_ =	swait.ge [sflag:s31], $0x180  }
0x3e: {  	s28 =	smulhi.u32 $0x2AAAAAAB, s3;
	s29 =	sshra.s32 s3, $0x1F;
	[sflag:s31] =	ssyncset.done $0x0  }
0x3f: {  	s29 =	smul.u32 $0x2AAAAAAB, s29;
	[sflag:s31] =	ssyncadd.s32 $0xFFFFFE80  }
0x40: {  	[hbm:s19], [sflag:s26] =	dma.local @!p0 [hbm:s18], $0x1400  }
0x41: {  	[hbm:s21], [sflag:s26] =	dma.local @!p0 [hbm:s20], $0xD80  }
0x42: {  	[hbm:s23], [sflag:s26] =	dma.local @!p0 [hbm:s22], $0x100  }
0x43: {  	s28 =	sadd.s32 s29, s28;
	s26 =	simm.s32 @!p0 $0x1  }
0x44: {  	s29 =	sshrl.u32 s28, $0x1F;
	s28 =	sshra.s32 s28, $0x6;
	_ =	swait.ge @!p0 [sflag:s26], $0x1400  }
0x45: {  	s28 =	sadd.s32 s29, s28;
	[sflag:s26] =	ssyncset.done @!p0 $0x0  }
0x46: {  	s29 =	smul.u32 $0xFFFFFE80, s28;
	[sflag:s26] =	ssyncadd.s32 @!p0 $0xFFFFEC00  }
0x47: {  	s30 =	ssub.s32 $0x0, s3;
	_ =	swait.ge @!p0 [sflag:s26], $0xD80  }
0x48: {  	p1 =	slt.s32 s3, $0x1;
	p2 =	sne.s32 s29, s30;
	[sflag:s26] =	ssyncset.done @!p0 $0x0  }
0x49: {  	p1 =	por !p1, !p2;
	[sflag:s26] =	ssyncadd.s32 @!p0 $0xFFFFF280  }
0x4a: {  	s29 =	simm.s32 $0x1;
	p1 =	por !p1, !p1;
	_ =	swait.ge @!p0 [sflag:s26], $0x100  }
0x4b: {  	s29 =	simm.s32 @!p1 $0x0;
	[sflag:s26] =	ssyncset.done @!p0 $0x0  }
0x4c: {  	p1 =	sgt.s32 s3, $0x2FFF;
	s3 =	ssub.s32 s28, s29;
	[sflag:s26] =	ssyncadd.s32 @!p0 $0xFFFFFF00  }
0x4d: {  	s3 =	simm.s32 @p1 $0x0;
	v2 =	vld [tilespmem:$0x580]  }
0x4e: {  	p1 =	sne.s32 s6, s3;
	v3 =	vld [tilespmem:$0x200]  }
0x4f: {  	s3 =	simm.s32 @!p1 $0x1;
	s28 =	simm.s32 @!p1 $0x600;
	s26 =	simm.s32 @!p1 $0x0;
	v4 =	vld [tilespmem:$0x280]  }
0x50: {  	v5 =	vld @!p1 [tilespmem:$0x180];
	[tilespmem:s28], [sflag:$0x1] =	stream.indirect.gather @!p1 [hbm4b:s10+s3], $0x80, s26, s3, $0xb8;
	[tilespmem:$0x800] =	vst v63  }
0x51: {  	_ =	swait.ge @!p1 [sflag:s3], $0x80  }
0x52: {  	[sflag:s3] =	ssyncset.done @!p1 $0x0  }
0x53: {  	[sflag:s3] =	ssyncadd.s32 @!p1 $0xFFFFFF80  }
0x54: {  	v6 =	vld @!p1 [tilespmem:$0x600]  }
0x55: {  	v7 =	vld @!p1 [tilespmem:$0x610]  }
0x56: {  	s0 =	sshra.s32 s2, $0x1F;
	v8 =	vld @!p1 [tilespmem:$0x620]  }
0x57: {  	s30 =	smul.u32 $0x2AAAAAAB, s0;
	v9 =	vld @!p1 [tilespmem:$0x630];
	vm1 =	veq.s32 @!p1 v5, $0x0  }
0x58: {  	s29 =	smulhi.u32 $0x2AAAAAAB, s2;
	v11 =	vld @!p1 [tilespmem:$0x640];
	v10 =	vnsel @!p1 vm1, $0x0, v2;
	vm1 =	veq.s32 @!p1 v5, $0x1  }
0x59: {  	v12 =	vld @!p1 [tilespmem:$0x650];
	v6 =	vadd.f32 @!p1 v6, v10;
	v10 =	vnsel @!p1 vm1, $0x0, v2;
	vm1 =	veq.s32 @!p1 v5, $0x2  }
0x5a: {  	s29 =	sadd.s32 s30, s29;
	v13 =	vld @!p1 [tilespmem:$0x660];
	v7 =	vadd.f32 @!p1 v7, v10;
	v10 =	vnsel @!p1 vm1, $0x0, v2;
	vm1 =	veq.s32 @!p1 v5, $0x3  }
0x5b: {  	s30 =	sshrl.u32 s29, $0x1F;
	s29 =	sshra.s32 s29, $0x2;
	[tilespmem:$0x600] =	vst @!p1 v6;
	v6 =	vadd.f32 @!p1 v8, v10;
	v8 =	vnsel @!p1 vm1, $0x0, v2;
	vm1 =	veq.s32 @!p1 v5, $0x4;
	v10 =	vld @!p1 [tilespmem:$0x670]  }
0x5c: {  	s29 =	sadd.s32 s30, s29;
	[tilespmem:$0x610] =	vst @!p1 v7;
	v7 =	vadd.f32 @!p1 v9, v8;
	v8 =	vnsel @!p1 vm1, $0x0, v2;
	vm1 =	veq.s32 @!p1 v5, $0x5  }
0x5d: {  	s30 =	smul.u32 $0xFFFFFFE8, s29;
	[tilespmem:$0x620] =	vst @!p1 v6;
	v6 =	vadd.f32 @!p1 v11, v8;
	v8 =	vnsel @!p1 vm1, $0x0, v2;
	vm1 =	veq.s32 @!p1 v5, $0x6  }
0x5e: {  	s0 =	ssub.s32 $0x0, s2;
	[tilespmem:$0x630] =	vst @!p1 v7;
	v7 =	vadd.f32 @!p1 v12, v8;
	v8 =	vnsel @!p1 vm1, $0x0, v2;
	vm1 =	veq.s32 @!p1 v5, $0x7  }
0x5f: {  	p3 =	slt.s32 s2, $0x1;
	p4 =	sne.s32 s30, s0;
	[tilespmem:$0x640] =	vst @!p1 v6;
	v5 =	vadd.f32 @!p1 v13, v8;
	v6 =	vnsel @!p1 vm1, $0x0, v2  }
0x60: {  	p2 =	por !p3, !p4;
	[tilespmem:$0x650] =	vst @!p1 v7;
	v6 =	vadd.f32 @!p1 v10, v6  }
0x61: {  	s0 =	simm.s32 $0x1;
	p2 =	por !p2, !p2;
	[tilespmem:$0x660] =	vst @!p1 v5  }
0x62: {  	s0 =	simm.s32 @!p2 $0x0;
	[tilespmem:$0x670] =	vst @!p1 v6  }
0x63: {  	[hbm4b:s10+s3] =	stream.indirect.scatter @!p1 [tilespmem:s28], [sflag:$0x1], $0x80, s26, s3, $0xb8;
	[tilespmem:$0x800] =	vst v63  }
0x64: {  	p2 =	sgt.s32 s2, $0x2FF;
	s0 =	ssub.s32 s29, s0;
	_ =	swait.ge @!p1 [sflag:s3], $0x80  }
0x65: {  	s0 =	simm.s32 @p2 $0x0;
	[sflag:s3] =	ssyncset.done @!p1 $0x0  }
0x66: {  	[sflag:s3] =	ssyncadd.s32 @!p1 $0xFFFFFF80;
	p1 =	sne.s32 s6, s0  }
0x67: {  	s2 =	simm.s32 @!p1 $0x1;
	s3 =	simm.s32 @!p1 $0x80;
	s26 =	simm.s32 @!p1 $0x680  }
0x68: {  	[tilespmem:s26], [sflag:$0x1] =	stream.indirect.gather @!p1 [hbm4b:s4+s2], $0x80, s3, s2, $0xb8;
	[tilespmem:$0x800] =	vst v63  }
0x69: {  	_ =	swait.ge @!p1 [sflag:s2], $0x80  }
0x6a: {  	[sflag:s2] =	ssyncset.done @!p1 $0x0  }
0x6b: {  	[sflag:s2] =	ssyncadd.s32 @!p1 $0xFFFFFF80  }
0x6c: {  	v5 =	vld @!p1 [tilespmem:$0x680]  }
0x6d: {  	v6 =	vlaneseq.u32 @!p1  }
0x6e: {  	vm2 =	veq.s32 @!p1 v3, $0x0;
	vm1 =	veq.s32 @!p1 v4, v6;
	v7 =	vld @!p1 [tilespmem:$0x690]  }
0x6f: {  	vm3 =	veq.s32 @!p1 v3, $0x1;
	v4 =	vimm.s32 @!p1 $0x0;
	vm2 =	vmand @!p1 vm2, vm1;
	v6 =	vld @!p1 [tilespmem:$0x6A0]  }
0x70: {  	v8 =	vsel @!p1 vm2, $0x1, v4;
	vm2 =	vmand @!p1 vm3, vm1  }
0x71: {  	v9 =	vld @!p1 [tilespmem:$0x6B0];
	v5 =	vadd.s32 @!p1 v8, v5;
	v8 =	vsel @!p1 vm2, $0x1, v4;
	vm2 =	veq.s32 @!p1 v3, $0x2  }
0x72: {  	s30 =	smulhi.u32 $0xA80A80A9, s1;
	s29 =	sshra.s32 s1, $0x1F;
	vm2 =	vmand @!p1 vm2, vm1  }
0x73: {  	s28 =	smul.u32 $0xA80A80A9, s29;
	vm3 =	veq.s32 @!p1 v3, $0x3;
	v10 =	vld @!p1 [tilespmem:$0x6C0];
	v7 =	vadd.s32 @!p1 v8, v7;
	v8 =	vsel @!p1 vm2, $0x1, v4  }
0x74: {  	s0 =	ssub.s32 s30, s1;
	v11 =	vld @!p1 [tilespmem:$0x6D0];
	[tilespmem:$0x680] =	vst @!p1 v5;
	vm2 =	vmand @!p1 vm3, vm1;
	vm3 =	veq.s32 @!p1 v3, $0x4;
	v5 =	vadd.s32 @!p1 v8, v6  }
0x75: {  	s0 =	sadd.s32 s28, s0;
	v6 =	vsel @!p1 vm2, $0x1, v4;
	vm2 =	vmand @!p1 vm3, vm1;
	v8 =	vld @!p1 [tilespmem:$0x6E0];
	vm3 =	veq.s32 @!p1 v3, $0x6  }
0x76: {  	s0 =	sadd.s32 s1, s0;
	[tilespmem:$0x690] =	vst @!p1 v7;
	v6 =	vadd.s32 @!p1 v6, v9;
	v7 =	vsel @!p1 vm2, $0x1, v4;
	vm2 =	veq.s32 @!p1 v3, $0x5;
	v9 =	vld @!p1 [tilespmem:$0x6F0]  }
0x77: {  	s30 =	sshrl.u32 s0, $0x1F;
	s0 =	sshra.s32 s0, $0xB;
	[tilespmem:$0x6A0] =	vst @!p1 v5;
	vm3 =	vmand @!p1 vm3, vm1;
	vm2 =	vmand @!p1 vm2, vm1  }
0x78: {  	s0 =	sadd.s32 s30, s0;
	v5 =	vadd.s32 @!p1 v7, v10;
	[tilespmem:$0x6B0] =	vst @!p1 v6;
	v6 =	vsel @!p1 vm2, $0x1, v4;
	vm2 =	veq.s32 @!p1 v3, $0x7  }
0x79: {  	s29 =	smul.u32 $0xFFFFF3D0, s0;
	[tilespmem:$0x6C0] =	vst @!p1 v5;
	v5 =	vsel @!p1 vm3, $0x1, v4;
	vm1 =	vmand @!p1 vm2, vm1;
	v3 =	vadd.s32 @!p1 v6, v11  }
0x7a: {  	s30 =	ssub.s32 $0x0, s1;
	[tilespmem:$0x6D0] =	vst @!p1 v3;
	v3 =	vadd.s32 @!p1 v5, v8;
	v4 =	vsel @!p1 vm1, $0x1, v4  }
0x7b: {  	p6 =	slt.s32 s1, $0x1;
	p5 =	sne.s32 s29, s30;
	[tilespmem:$0x6E0] =	vst @!p1 v3;
	v3 =	vadd.s32 @!p1 v4, v9  }
0x7c: {  	p2 =	por !p6, !p5;
	[tilespmem:$0x6F0] =	vst @!p1 v3  }
0x7d: {  	[hbm4b:s4+s2] =	stream.indirect.scatter @!p1 [tilespmem:s26], [sflag:$0x1], $0x80, s3, s2, $0xb8;
	[tilespmem:$0x800] =	vst v63  }
0x7e: {  	p2 =	por !p2, !p2;
	s3 =	simm.s32 $0x1  }
0x7f: {  	s3 =	simm.s32 @!p2 $0x0  }
0x80: {  	p2 =	sgt.s32 s1, $0x185FF;
	s0 =	ssub.s32 s0, s3  }
0x81: {  	s0 =	simm.s32 @p2 $0x0  }
0x82: {  	p2 =	sne.s32 s6, s0  }
.Ltmp2:
0x83: {  	_ = 	snop;
	(pc) =	sbr.rel @p2 .LBB2_3-.Ltmp2, $4  }
0x84: {  	_ = 	snop  }
0x85: {  	_ =	swait.ge @!p1 [sflag:s2], $0x80  }
0x86: {  	[sflag:s2] =	ssyncset.done @!p1 $0x0  }
0x87: {  	[sflag:s2] =	ssyncadd.s32 @!p1 $0xFFFFFF80  }
0x88: {  	v3 =	vld.msk [tilespmem:$0x100], $0x1;
	_ =	sdelay $0x4  }
0x89: {  	v4 =	vshll.u32 v3, $0x1  }
0x8a: {  	v3 =	vand.u32 $0x7, v3;
	v4 =	vand.u32 $0xFFFFFFF0, v4  }
0x8b: {  	v3 =	vor.u32 v3, v4  }
0x8c: {  	v3 =	vperm.xlane v3, v0;
	_ =	sdelay $0x1  }
0x8d: {  	v3 =	vadd.s32 v1, v3;
	_ =	sdelay $0x3  }
0x8e: {  	s0 =	simm.s32 $0x700  }
0x8f: {  	[tilespmem:s0], [sflag:$0x1] =	stream.indirect_vreg.gather [hbm4b:s11+s5], $0x80, v3, vm0, $0xb8;
	[tilespmem:$0x800] =	vst v63  }
0x90: {  	_ =	swait.ge [sflag:s31], $0x100  }
0x91: {  	[sflag:s31] =	ssyncset.done $0x0  }
0x92: {  	[sflag:s31] =	ssyncadd.s32 $0xFFFFFF00  }
0x93: {  	v5 =	vbroadcast v2, $0x0;
	v3 =	vld [tilespmem:$0x700]  }
0x94: {  	v7 =	vbroadcast v2, $0x1;
	v8 =	vbroadcast v2, $0x2;
	v26 =	vld [tilespmem:$0x710]  }
0x95: {  	v12 =	vbroadcast v2, $0x3;
	v13 =	vbroadcast v2, $0x4;
	v6 =	vld [tilespmem:$0x720]  }
0x96: {  	v27 =	vbroadcast v2, $0x5;
	v15 =	vbroadcast v2, $0x6;
	v9 =	vld [tilespmem:$0x730]  }
0x97: {  	v33 =	vbroadcast v2, $0x7;
	v5 =	vmul.f32 v5, v2;
	v10 =	vld [tilespmem:$0x740]  }
0x98: {  	v34 =	vbroadcast v2, $0x8;
	v7 =	vmul.f32 v7, v2;
	v16 =	vld [tilespmem:$0x770]  }
0x99: {  	v36 =	vbroadcast v2, $0x9;
	v8 =	vmul.f32 v8, v2;
	v30 =	vld [tilespmem:$0x780];
	v3 =	vadd.f32 v3, v5  }
0x9a: {  	v37 =	vbroadcast v2, $0xA;
	v29 =	vmul.f32 v13, v2;
	v32 =	vld [tilespmem:$0x790];
	v4 =	vadd.f32 v26, v7  }
0x9b: {  	v45 =	vbroadcast v2, $0xB;
	v38 =	vmul.f32 v33, v2;
	v17 =	vld [tilespmem:$0x7A0];
	v6 =	vadd.f32 v6, v8;
	[tilespmem:$0x700] =	vst v3  }
0x9c: {  	v49 =	vbroadcast v2, $0xC;
	v39 =	vmul.f32 v34, v2;
	v18 =	vld.msk [tilespmem:$0x100], $0x1;
	v35 =	vadd.f32 v10, v29;
	[tilespmem:$0x710] =	vst v4  }
0x9d: {  	v51 =	vbroadcast v2, $0xD;
	v40 =	vmul.f32 v36, v2;
	v14 =	vld [tilespmem:$0x760];
	v42 =	vadd.f32 v16, v38;
	[tilespmem:$0x720] =	vst v6  }
0x9e: {  	v57 =	vbroadcast v2, $0xE;
	v28 =	vmul.f32 v12, v2;
	v54 =	vld [tilespmem:$0x7E0];
	v43 =	vadd.f32 v30, v39;
	[tilespmem:$0x740] =	vst v35  }
0x9f: {  	v59 =	vbroadcast v2, $0xF;
	v41 =	vmul.f32 v37, v2;
	v11 =	vld [tilespmem:$0x750];
	v46 =	vadd.f32 v32, v40;
	[tilespmem:$0x770] =	vst v42  }
0xa0: {  	v31 =	vmul.f32 v15, v2;
	v61 =	vmul.f32 v57, v2;
	v48 =	vld [tilespmem:$0x7C0];
	v3 =	vadd.f32 v9, v28;
	[tilespmem:$0x780] =	vst v43  }
0xa1: {  	v44 =	vld [tilespmem:$0x7B0];
	v5 =	vmul.f32 v27, v2;
	v47 =	vadd.f32 v17, v41;
	v52 =	vshll.u32 v18, $0x1;
	[tilespmem:$0x790] =	vst v46  }
0xa2: {  	v58 =	vld [tilespmem:$0x7F0];
	v55 =	vand.u32 $0x7, v18;
	v13 =	vand.u32 $0xFFFFFFF0, v52;
	[tilespmem:$0x730] =	vst v3;
	v3 =	vadd.f32 v14, v31  }
0xa3: {  	v53 =	vmul.f32 v49, v2;
	v50 =	vld [tilespmem:$0x7D0];
	v63 =	vadd.f32 v54, v61;
	v13 =	vor.u32 v55, v13;
	[tilespmem:$0x7A0] =	vst v47  }
0xa4: {  	v5 =	vadd.f32 v11, v5;
	v60 =	vperm.xlane v13, v0;
	[tilespmem:$0x760] =	vst v3;
	v3 =	vmul.f32 v45, v2  }
0xa5: {  	v56 =	vmul.f32 v51, v2;
	v4 =	vadd.f32 v48, v53;
	[tilespmem:$0x7E0] =	vst v63;
	v2 =	vmul.f32 v59, v2  }
0xa6: {  	[tilespmem:$0x750] =	vst v5;
	v62 =	vadd.s32 v1, v60;
	v3 =	vadd.f32 v44, v3  }
0xa7: {  	[tilespmem:$0x7C0] =	vst v4;
	v2 =	vadd.f32 v58, v2  }
0xa8: {  	[tilespmem:$0x7B0] =	vst v3;
	v3 =	vadd.f32 v50, v56  }
0xa9: {  	[tilespmem:$0x7F0] =	vst v2  }
.Ltmp3:
0xaa: {  	[tilespmem:$0x7D0] =	vst v3;
	(pc) =	sbr.rel .LBB2_3-.Ltmp3, $4  }
0xab: {  	[hbm4b:s11+s5] =	stream.indirect_vreg.scatter [tilespmem:s0], [sflag:$0x1], $0x80, v62, vm0, $0xb8;
	[tilespmem:$0x800] =	vst v63  }
0xac: {  	_ =	swait.ge [sflag:s31], $0x100  }
0xad: {  	[sflag:s31] =	ssyncset.done $0x0  }
0xae: {  	[sflag:s31] =	ssyncadd.s32 $0xFFFFFF00  }
.LBB2_4:
0xaf: {  	_ =	sfence.sel $0x180000  }
0xb0: {  	[bflag:$0x0] =	sbarrier.arrive $0xFFFF  }
0xb1: {  	_ =	strace $0x90000047  }
0xb2: {  	s0 =	stileid.u32;
	[bflag:$0x2] =	sbarrier.arrive $0xFFFF  }
0xb3: {  	p0 =	sne.s32 s0, $0x0;
	s0 =	rddreg [dreg:$0x6]  }
0xb4: {  	s0 =	sadd.s32 @!p0 $0x100000, s0  }
0xb5: {  	[sflag:s0] =	ssyncadd.tile.s32 @!p0 $0x1;
	_ =	shalt  }
.Lfunc_end2:
_tile_overlayer_lowered:
.L_overlay_start_2:
0xb6: {  	(tag) =	ssettag $0x2  }
0xb7: {  	s0 =	rddreg [dreg:$0x0];
	s2 =	stileid.u32  }
0xb8: {  	s1 =	rddreg [dreg:$0x1];
	p0 =	sne.s32 s2, $0x0  }
0xb9: {  	s3 =	rddreg [dreg:$0x2];
	[bflag:$0x3] =	sbarrier.arrive $0xFFFF;
	s2 =	simm.s32 @!p0 $0x1C02  }
0xba: {  	[timem:s3], [sflag:s2] =	dma.local @!p0 [hbm:s0], s1  }
0xbb: {  	s0 =	simm.s32 @!p0 $0x2  }
0xbc: {  	_ =	swait.ge @!p0 [sflag:s0], s1  }
0xbd: {  	s1 =	ssub.s32 @!p0 $0x0, s1;
	[sflag:s0] =	ssyncset.done @!p0 $0x0  }
0xbe: {  	[sflag:s0] =	ssyncadd.s32 @!p0 s1  }
0xbf: {  	[bflag:$0x3] =	sbarrier.arrive $0xFFFF  }
0xc0: {  	_ =	shalt  }

</sc_bundles>
